<compile_context>
chip_gen: v7x
topology: tpu7x:2x2x1
jax: 0.10.2.dev20260603
libtpu: 0.0.44.dev20260713+nightly
codegen_flags: <defaults>
</compile_context>

<pallas_src>
import functools

import jax
import jax.numpy as jnp
from jax import lax
from jax.experimental import pallas as pl
from jax.experimental.pallas import tpu as pltpu
from jax.experimental.pallas import tpu_sc as plsc

BT = 512
K = 4


def _dist_tile(q_ref, s_ref):
    q = q_ref[0]
    s = s_ref[0]
    qn = jnp.sum(q * q, axis=0)
    sn = jnp.sum(s * s, axis=0)
    qs = jax.lax.dot_general(q, s, (((0,), (0,)), ((), ())),
                             preferred_element_type=jnp.float32)
    return (qn[:, None] + sn[None, :]) - 2.0 * qs


def _topk_from(d, idx_ref):
    ps = d.shape[1]
    lane = jax.lax.broadcasted_iota(jnp.int32, d.shape, 1).astype(jnp.float32)
    cols = []
    for j in range(K):
        m = jnp.min(d, axis=1, keepdims=True)
        cand = jnp.where(d == m, lane, jnp.float32(ps))
        amin = jnp.min(cand, axis=1, keepdims=True)
        cols.append(amin)
        if j < K - 1:
            d = jnp.where(lane == amin, jnp.float32(jnp.inf), d)
    idxf = jnp.concatenate(cols, axis=1)
    idx_ref[0] = idxf.astype(jnp.int32)


def _topk_body(q_ref, s_ref, idx_ref):
    _topk_from(_dist_tile(q_ref, s_ref), idx_ref)


def _knn_topk(Tq, S):
    B, d, PT = Tq.shape
    PS = S.shape[2]
    grid = (B, PT // BT)
    return pl.pallas_call(
        _topk_body,
        grid=grid,
        in_specs=[
            pl.BlockSpec((1, d, BT), lambda b, p: (b, 0, p)),
            pl.BlockSpec((1, d, PS), lambda b, p: (b, 0, 0)),
        ],
        out_specs=pl.BlockSpec((1, BT, K), lambda b, p: (b, p, 0)),
        out_shape=jax.ShapeDtypeStruct((B, PT, K), jnp.int32),
    )(Tq, S)


def _sc_gather(idxf, Source):
    B, C, PS = Source.shape
    PTK = idxf.shape[1]
    ncores, nsub = 2, 16
    nw = ncores * nsub
    gpb = nw // B
    nch = -(-C // gpb)
    mesh = plsc.VectorSubcoreMesh(core_axis_name="c", subcore_axis_name="s")

    @functools.partial(
        pl.kernel,
        out_type=jax.ShapeDtypeStruct((B, C, PTK), jnp.float32),
        mesh=mesh,
        compiler_params=pltpu.CompilerParams(needs_layout_passes=False),
        scratch_types=[
            pltpu.VMEM((PTK,), jnp.int32),
            pltpu.VMEM((PS,), jnp.float32),
            pltpu.VMEM((PS,), jnp.float32),
            pltpu.VMEM((PTK,), jnp.float32),
            pltpu.VMEM((PTK,), jnp.float32),
            pltpu.SemaphoreType.DMA,
            pltpu.SemaphoreType.DMA,
            pltpu.SemaphoreType.DMA,
            pltpu.SemaphoreType.DMA,
        ],
    )
    def gather_kernel(idx_hbm, src_hbm, out_hbm, idx_v,
                      row0, row1, out0, out1,
                      sin0, sin1, sout0, sout1):
        wid = lax.axis_index("s") * ncores + lax.axis_index("c")
        b = wid // gpb
        g = wid % gpb
        rows = (row0, row1)
        outs = (out0, out1)
        sins = (sin0, sin1)
        souts = (sout0, sout1)
        pltpu.sync_copy(idx_hbm.at[b], idx_v)

        def in_copy(i, buf):
            return pltpu.make_async_copy(
                src_hbm.at[b, g + i * gpb], rows[buf], sins[buf])

        def out_copy(i, buf):
            return pltpu.make_async_copy(
                outs[buf], out_hbm.at[b, g + i * gpb], souts[buf])

        @pl.when(g < C)
        def _():
            in_copy(0, 0).start()

        for i in range(nch):
            cur = i % 2
            ch = g + i * gpb

            if i + 1 < nch:
                @pl.when(ch + gpb < C)
                def _(i=i, cur=cur):
                    in_copy(i + 1, 1 - cur).start()

            @pl.when(ch < C)
            def _(i=i, cur=cur, ch=ch):
                in_copy(i, cur).wait()

                def vec_body(j, carry):
                    base = j * 128
                    for u in range(8):
                        ivec = idx_v[pl.ds(base + u * 16, 16)]
                        outs[cur][pl.ds(base + u * 16, 16)] = plsc.load_gather(
                            rows[cur], [ivec])
                    return carry

                lax.fori_loop(0, PTK // 128, vec_body, 0)
                if i >= 2:
                    out_copy(i - 2, cur).wait()
                out_copy(i, cur).start()

        for i in (nch - 2, nch - 1):
            @pl.when(g + i * gpb < C)
            def _(i=i):
                out_copy(i, i % 2).wait()

    return gather_kernel(idxf, Source)


def kernel(Target, Source, s_num):
    B, C, PT = Target.shape
    idx = _knn_topk(Target[:, 4:, :], Source[:, 4:, :])
    idx = idx + (jnp.asarray(s_num, dtype=idx.dtype) - K)
    feat = _sc_gather(idx.reshape(B, PT * K), Source)
    return feat.reshape(B, C, PT, K)

# --- scband reference (transcript-rebuilt; emitter-appended) ---
"""Pipeline reference for scband-dynamic-emsemble-15049565405701 (READ-ONLY COPY).

The authoritative reference and input builder live on the scoring server;
editing this copy changes nothing except your own understanding.
"""

import jax, jax.numpy as jnp
import numpy as np


def setup_inputs(seed: int = 0) -> dict:
    key = jax.random.key(seed)
    k1, k2 = jax.random.split(key)
    Target = jax.random.normal(k1, (4, 68, 2048), dtype=jnp.float32)
    Source = jax.random.normal(k2, (4, 68, 8192), dtype=jnp.float32)
    return {"Target": Target, "Source": Source, "s_num": 4}


def reference(Target, Source, s_num):
    # Dynamic_emsemble.forward: brute-force kNN on channels 4: of Source (ref)
    # vs Target (query), then gather the k nearest Source columns per Target point.
    B, C, P_T = Target.shape
    q = Target[:, 4:, :]  # (B, d, P_T)
    s = Source[:, 4:, :]  # (B, d, P_S)
    qn = jnp.sum(q * q, axis=1)  # (B, P_T)
    sn = jnp.sum(s * s, axis=1)  # (B, P_S)
    # squared euclidean distances (same argmin ordering as knn_cuda euclidean)
    dist = qn[:, :, None] + sn[:, None, :] - 2.0 * jnp.einsum('bdp,bdq->bpq', q, s)  # (B, P_T, P_S)
    k_static = 4
    _, idx = jax.lax.top_k(-dist, k_static)  # (B, P_T, k), nearest first
    idx = idx + (jnp.asarray(s_num, dtype=idx.dtype) - k_static)
    indx = jnp.transpose(idx, (0, 2, 1))  # (B, k, P_T)  == knn_cuda transpose_mode=False layout
    # gether_neibour
    idx_flat = indx.reshape(B, 1, k_static * P_T)
    idx_b = jnp.broadcast_to(idx_flat, (B, C, k_static * P_T))
    feature = jnp.take_along_axis(Source, idx_b, axis=2)  # (B, C, k*P_T)
    feature = feature.reshape(B, C, k_static, P_T)
    feature = jnp.transpose(feature, (0, 3, 2, 1))  # (B, P_T, k, C)
    out = jnp.transpose(feature, (0, 3, 1, 2))  # (B, C, P_T, k)
    return out

if __name__ == "__main__":
    import jax
    _d = setup_inputs()
    print(jax.jit(kernel)(*tuple(_d.values())))

</pallas_src>

<mosaic_0001>
#map = affine_map<(d0, d1) -> (0, 0)>
#map1 = affine_map<(d0, d1) -> (0, 0, 0)>
module attributes {stable_mosaic.version = 14 : i64} {
  func.func @gather_kernel(%arg0: i32, %arg1: i32, %arg2: memref<4x8192xi32, #tpu.memory_space<hbm>>, %arg3: memref<4x68x8192xf32, #tpu.memory_space<hbm>>, %arg4: memref<4x68x8192xf32, #tpu.memory_space<hbm>>, %arg5: memref<8192xi32, #tpu.memory_space<vmem>>, %arg6: memref<8192xf32, #tpu.memory_space<vmem>>, %arg7: memref<8192xf32, #tpu.memory_space<vmem>>, %arg8: memref<8192xf32, #tpu.memory_space<vmem>>, %arg9: memref<8192xf32, #tpu.memory_space<vmem>>, %arg10: memref<!tpu.dma_semaphore, #tpu.memory_space<semaphore_mem>>, %arg11: memref<!tpu.dma_semaphore, #tpu.memory_space<semaphore_mem>>, %arg12: memref<!tpu.dma_semaphore, #tpu.memory_space<semaphore_mem>>, %arg13: memref<!tpu.dma_semaphore, #tpu.memory_space<semaphore_mem>>) attributes {dimension_semantics = [#tpu.dimension_semantics<core_parallel>, #tpu.dimension_semantics<subcore_parallel>], iteration_bounds = array<i64: 2, 16>, scalar_prefetch = 0 : i64, scratch_operands = 9 : i64, tpu.core_type = #tpu.core_type<sc_vector_subcore>, window_params = [{transform_indices = #map}, {transform_indices = #map1}, {transform_indices = #map1}]} {
    %mul3A = arith.constant 2 : i32
    %mul3A_0 = arith.muli %arg1, %mul3A : i32
    %add3A = arith.addi %mul3A_0, %arg0 : i32
    %jit3A = arith.constant 8 : i32
    %div3A = arith.divsi %add3A, %jit3A : i32
    %sign3A = arith.constant 0 : i32
    %sign3A_1 = arith.cmpi sgt, %add3A, %sign3A : i32
    %sign3A_2 = arith.extui %sign3A_1 : i1 to i32
    %sign3A_3 = arith.constant 0 : i32
    %sign3A_4 = arith.cmpi slt, %add3A, %sign3A_3 : i32
    %sign3A_5 = arith.extui %sign3A_4 : i1 to i32
    %sign3A_6 = arith.subi %sign3A_2, %sign3A_5 : i32
    %sign3A_7 = arith.constant 0 : i32
    %sign3A_8 = arith.cmpi sgt, %jit3A, %sign3A_7 : i32
    %sign3A_9 = arith.extui %sign3A_8 : i1 to i32
    %sign3A_10 = arith.constant 0 : i32
    %sign3A_11 = arith.cmpi slt, %jit3A, %sign3A_10 : i32
    %sign3A_12 = arith.extui %sign3A_11 : i1 to i32
    %sign3A_13 = arith.subi %sign3A_9, %sign3A_12 : i32
    %ne3A = arith.cmpi ne, %sign3A_6, %sign3A_13 : i32
    %rem3A = arith.remsi %add3A, %jit3A : i32
    %ne3A_14 = arith.constant 0 : i32
    %ne3A_15 = arith.cmpi ne, %rem3A, %ne3A_14 : i32
    %and3A = arith.andi %ne3A, %ne3A_15 : i1
    %sub3A = arith.constant 1 : i32
    %sub3A_16 = arith.subi %div3A, %sub3A : i32
    %select_n3A = arith.select %and3A, %sub3A_16, %div3A : i32
    %jit3A_17 = arith.constant 8 : i32
    %eq3A = arith.constant 0 : i32
    %eq3A_18 = arith.cmpi eq, %jit3A_17, %eq3A : i32
    %jit3A_19 = arith.constant 1 : i32
    %select_n3A_20 = arith.select %eq3A_18, %jit3A_19, %jit3A_17 : i32
    %rem3A_21 = arith.remsi %add3A, %select_n3A_20 : i32
    %ne3A_22 = arith.constant 0 : i32
    %ne3A_23 = arith.cmpi ne, %rem3A_21, %ne3A_22 : i32
    %lt3A = arith.constant 0 : i32
    %lt3A_24 = arith.cmpi slt, %rem3A_21, %lt3A : i32
    %lt3A_25 = arith.constant 0 : i32
    %lt3A_26 = arith.cmpi slt, %select_n3A_20, %lt3A_25 : i32
    %ne3A_27 = arith.xori %lt3A_24, %lt3A_26 : i1
    %and3A_28 = arith.andi %ne3A_27, %ne3A_23 : i1
    %add3A_29 = arith.addi %rem3A_21, %select_n3A_20 : i32
    %select_n3A_30 = arith.select %and3A_28, %add3A_29, %rem3A_21 : i32
    "tpu.region"() ({
      %run_scoped3A = tpu.sem_alloc : memref<!tpu.dma_semaphore, #tpu.memory_space<semaphore_mem>>
      %dma_start3A = arith.constant 0 : i32
      %dma_start3A_167 = tpu.memref_slice %arg2[%select_n3A, %dma_start3A] : memref<4x8192xi32, #tpu.memory_space<hbm>> -> memref<1x8192xi32, #tpu.memory_space<hbm>>
      %dma_start3A_168 = tpu.memref_squeeze %dma_start3A_167 : memref<1x8192xi32, #tpu.memory_space<hbm>> -> memref<8192xi32, #tpu.memory_space<hbm>>
      %dma_start3A_169 = arith.constant 0 : i32
      %dma_start3A_170 = tpu.memref_slice %arg2[%select_n3A, %dma_start3A_169] : memref<4x8192xi32, #tpu.memory_space<hbm>> -> memref<1x8192xi32, #tpu.memory_space<hbm>>
      %dma_start3A_171 = tpu.memref_squeeze %dma_start3A_170 : memref<1x8192xi32, #tpu.memory_space<hbm>> -> memref<8192xi32, #tpu.memory_space<hbm>>
      tpu.enqueue_dma source(%dma_start3A_171 : memref<8192xi32, #tpu.memory_space<hbm>>) target(%arg5 : memref<8192xi32, #tpu.memory_space<vmem>>) target_semaphore(%run_scoped3A : memref<!tpu.dma_semaphore, #tpu.memory_space<semaphore_mem>>)
      %dma_wait3A = arith.constant 0 : i32
      %dma_wait3A_172 = tpu.memref_slice %arg2[%select_n3A, %dma_wait3A] : memref<4x8192xi32, #tpu.memory_space<hbm>> -> memref<1x8192xi32, #tpu.memory_space<hbm>>
      %dma_wait3A_173 = tpu.memref_squeeze %dma_wait3A_172 : memref<1x8192xi32, #tpu.memory_space<hbm>> -> memref<8192xi32, #tpu.memory_space<hbm>>
      %dma_wait3A_174 = arith.constant 0 : i32
      %dma_wait3A_175 = tpu.memref_slice %arg2[%select_n3A, %dma_wait3A_174] : memref<4x8192xi32, #tpu.memory_space<hbm>> -> memref<1x8192xi32, #tpu.memory_space<hbm>>
      %dma_wait3A_176 = tpu.memref_squeeze %dma_wait3A_175 : memref<1x8192xi32, #tpu.memory_space<hbm>> -> memref<8192xi32, #tpu.memory_space<hbm>>
      tpu.wait_dma2 semaphore(%run_scoped3A : memref<!tpu.dma_semaphore, #tpu.memory_space<semaphore_mem>>) src(%dma_wait3A_176 : memref<8192xi32, #tpu.memory_space<hbm>>) dst(%arg5 : memref<8192xi32, #tpu.memory_space<vmem>>)
      tpu.yield
    }) : () -> ()
    %lt3A_31 = arith.constant 68 : i32
    %lt3A_32 = arith.cmpi slt, %select_n3A_30, %lt3A_31 : i32
    %convert_element_type3A = arith.extui %lt3A_32 : i1 to i32
    %cond3A = arith.constant 0 : i32
    %cond3A_33 = arith.cmpi ne, %convert_element_type3A, %cond3A : i32
    scf.if %cond3A_33 {
      %add3A_167 = arith.constant 0 : i32
      %add3A_168 = arith.addi %select_n3A_30, %add3A_167 : i32
      %dma_start3A = arith.constant 0 : i32
      %dma_start3A_169 = tpu.memref_slice %arg3[%select_n3A, %add3A_168, %dma_start3A] : memref<4x68x8192xf32, #tpu.memory_space<hbm>> -> memref<1x1x8192xf32, #tpu.memory_space<hbm>>
      %dma_start3A_170 = tpu.memref_squeeze %dma_start3A_169 : memref<1x1x8192xf32, #tpu.memory_space<hbm>> -> memref<8192xf32, #tpu.memory_space<hbm>>
      %dma_start3A_171 = arith.constant 0 : i32
      %dma_start3A_172 = tpu.memref_slice %arg3[%select_n3A, %add3A_168, %dma_start3A_171] : memref<4x68x8192xf32, #tpu.memory_space<hbm>> -> memref<1x1x8192xf32, #tpu.memory_space<hbm>>
      %dma_start3A_173 = tpu.memref_squeeze %dma_start3A_172 : memref<1x1x8192xf32, #tpu.memory_space<hbm>> -> memref<8192xf32, #tpu.memory_space<hbm>>
      tpu.enqueue_dma source(%dma_start3A_173 : memref<8192xf32, #tpu.memory_space<hbm>>) target(%arg6 : memref<8192xf32, #tpu.memory_space<vmem>>) target_semaphore(%arg10 : memref<!tpu.dma_semaphore, #tpu.memory_space<semaphore_mem>>)
    } else {
    }
    %add3A_34 = arith.constant 0 : i32
    %add3A_35 = arith.addi %select_n3A_30, %add3A_34 : i32
    %add3A_36 = arith.constant 8 : i32
    %add3A_37 = arith.addi %add3A_35, %add3A_36 : i32
    %lt3A_38 = arith.constant 68 : i32
    %lt3A_39 = arith.cmpi slt, %add3A_37, %lt3A_38 : i32
    %convert_element_type3A_40 = arith.extui %lt3A_39 : i1 to i32
    %cond3A_41 = arith.constant 0 : i32
    %cond3A_42 = arith.cmpi ne, %convert_element_type3A_40, %cond3A_41 : i32
    scf.if %cond3A_42 {
      %add3A_167 = arith.constant 8 : i32
      %add3A_168 = arith.addi %select_n3A_30, %add3A_167 : i32
      %dma_start3A = arith.constant 0 : i32
      %dma_start3A_169 = tpu.memref_slice %arg3[%select_n3A, %add3A_168, %dma_start3A] : memref<4x68x8192xf32, #tpu.memory_space<hbm>> -> memref<1x1x8192xf32, #tpu.memory_space<hbm>>
      %dma_start3A_170 = tpu.memref_squeeze %dma_start3A_169 : memref<1x1x8192xf32, #tpu.memory_space<hbm>> -> memref<8192xf32, #tpu.memory_space<hbm>>
      %dma_start3A_171 = arith.constant 0 : i32
      %dma_start3A_172 = tpu.memref_slice %arg3[%select_n3A, %add3A_168, %dma_start3A_171] : memref<4x68x8192xf32, #tpu.memory_space<hbm>> -> memref<1x1x8192xf32, #tpu.memory_space<hbm>>
      %dma_start3A_173 = tpu.memref_squeeze %dma_start3A_172 : memref<1x1x8192xf32, #tpu.memory_space<hbm>> -> memref<8192xf32, #tpu.memory_space<hbm>>
      tpu.enqueue_dma source(%dma_start3A_173 : memref<8192xf32, #tpu.memory_space<hbm>>) target(%arg7 : memref<8192xf32, #tpu.memory_space<vmem>>) target_semaphore(%arg11 : memref<!tpu.dma_semaphore, #tpu.memory_space<semaphore_mem>>)
    } else {
    }
    %lt3A_43 = arith.constant 68 : i32
    %lt3A_44 = arith.cmpi slt, %add3A_35, %lt3A_43 : i32
    %convert_element_type3A_45 = arith.extui %lt3A_44 : i1 to i32
    %cond3A_46 = arith.constant 0 : i32
    %cond3A_47 = arith.cmpi ne, %convert_element_type3A_45, %cond3A_46 : i32
    scf.if %cond3A_47 {
      %add3A_167 = arith.constant 0 : i32
      %add3A_168 = arith.addi %select_n3A_30, %add3A_167 : i32
      %dma_wait3A = arith.constant 0 : i32
      %dma_wait3A_169 = tpu.memref_slice %arg3[%select_n3A, %add3A_168, %dma_wait3A] : memref<4x68x8192xf32, #tpu.memory_space<hbm>> -> memref<1x1x8192xf32, #tpu.memory_space<hbm>>
      %dma_wait3A_170 = tpu.memref_squeeze %dma_wait3A_169 : memref<1x1x8192xf32, #tpu.memory_space<hbm>> -> memref<8192xf32, #tpu.memory_space<hbm>>
      %dma_wait3A_171 = arith.constant 0 : i32
      %dma_wait3A_172 = tpu.memref_slice %arg3[%select_n3A, %add3A_168, %dma_wait3A_171] : memref<4x68x8192xf32, #tpu.memory_space<hbm>> -> memref<1x1x8192xf32, #tpu.memory_space<hbm>>
      %dma_wait3A_173 = tpu.memref_squeeze %dma_wait3A_172 : memref<1x1x8192xf32, #tpu.memory_space<hbm>> -> memref<8192xf32, #tpu.memory_space<hbm>>
      tpu.wait_dma2 semaphore(%arg10 : memref<!tpu.dma_semaphore, #tpu.memory_space<semaphore_mem>>) src(%dma_wait3A_173 : memref<8192xf32, #tpu.memory_space<hbm>>) dst(%arg6 : memref<8192xf32, #tpu.memory_space<vmem>>)
      %scan3A = arith.constant 0 : i32
      %scan3A_174 = arith.constant 0 : i32
      %scan3A_175 = arith.constant 64 : i32
      %scan3A_176 = arith.addi %scan3A_174, %scan3A_175 : i32
      %scan3A_177 = arith.constant 1 : i32
      scf.for %scan3A_186 = %scan3A_174 to %scan3A_176 step %scan3A_177  : i32 {
        %mul3A_187 = arith.constant 128 : i32
        %mul3A_188 = arith.muli %scan3A_186, %mul3A_187 : i32
        %add3A_189 = arith.constant 0 : i32
        %add3A_190 = arith.addi %mul3A_188, %add3A_189 : i32
        %get3A = arith.index_cast %add3A_190 : i32 to index
        %get3A_191 = tpu.vector_load %arg5[%get3A] {strides = array<i32>} : memref<8192xi32, #tpu.memory_space<vmem>>, vector<16xi32>,
        %gather3A = tpu.vector_load_idx %arg6[%get3A_191] : memref<8192xf32, #tpu.memory_space<vmem>>[vector<16xi32>], vector<16xf32>,
        %add3A_192 = arith.constant 0 : i32
        %add3A_193 = arith.addi %mul3A_188, %add3A_192 : i32
        %swap3A = arith.index_cast %add3A_193 : i32 to index
        %swap3A_194 = tpu.vector_load %arg8[%swap3A] {strides = array<i32>} : memref<8192xf32, #tpu.memory_space<vmem>>, vector<16xf32>,
        tpu.vector_store %arg8[%swap3A], %gather3A {strides = array<i32>} : memref<8192xf32, #tpu.memory_space<vmem>>, vector<16xf32>,
        %add3A_195 = arith.constant 16 : i32
        %add3A_196 = arith.addi %mul3A_188, %add3A_195 : i32
        %get3A_197 = arith.index_cast %add3A_196 : i32 to index
        %get3A_198 = tpu.vector_load %arg5[%get3A_197] {strides = array<i32>} : memref<8192xi32, #tpu.memory_space<vmem>>, vector<16xi32>,
        %gather3A_199 = tpu.vector_load_idx %arg6[%get3A_198] : memref<8192xf32, #tpu.memory_space<vmem>>[vector<16xi32>], vector<16xf32>,
        %add3A_200 = arith.constant 16 : i32
        %add3A_201 = arith.addi %mul3A_188, %add3A_200 : i32
        %swap3A_202 = arith.index_cast %add3A_201 : i32 to index
        %swap3A_203 = tpu.vector_load %arg8[%swap3A_202] {strides = array<i32>} : memref<8192xf32, #tpu.memory_space<vmem>>, vector<16xf32>,
        tpu.vector_store %arg8[%swap3A_202], %gather3A_199 {strides = array<i32>} : memref<8192xf32, #tpu.memory_space<vmem>>, vector<16xf32>,
        %add3A_204 = arith.constant 32 : i32
        %add3A_205 = arith.addi %mul3A_188, %add3A_204 : i32
        %get3A_206 = arith.index_cast %add3A_205 : i32 to index
        %get3A_207 = tpu.vector_load %arg5[%get3A_206] {strides = array<i32>} : memref<8192xi32, #tpu.memory_space<vmem>>, vector<16xi32>,
        %gather3A_208 = tpu.vector_load_idx %arg6[%get3A_207] : memref<8192xf32, #tpu.memory_space<vmem>>[vector<16xi32>], vector<16xf32>,
        %add3A_209 = arith.constant 32 : i32
        %add3A_210 = arith.addi %mul3A_188, %add3A_209 : i32
        %swap3A_211 = arith.index_cast %add3A_210 : i32 to index
        %swap3A_212 = tpu.vector_load %arg8[%swap3A_211] {strides = array<i32>} : memref<8192xf32, #tpu.memory_space<vmem>>, vector<16xf32>,
        tpu.vector_store %arg8[%swap3A_211], %gather3A_208 {strides = array<i32>} : memref<8192xf32, #tpu.memory_space<vmem>>, vector<16xf32>,
        %add3A_213 = arith.constant 48 : i32
        %add3A_214 = arith.addi %mul3A_188, %add3A_213 : i32
        %get3A_215 = arith.index_cast %add3A_214 : i32 to index
        %get3A_216 = tpu.vector_load %arg5[%get3A_215] {strides = array<i32>} : memref<8192xi32, #tpu.memory_space<vmem>>, vector<16xi32>,
        %gather3A_217 = tpu.vector_load_idx %arg6[%get3A_216] : memref<8192xf32, #tpu.memory_space<vmem>>[vector<16xi32>], vector<16xf32>,
        %add3A_218 = arith.constant 48 : i32
        %add3A_219 = arith.addi %mul3A_188, %add3A_218 : i32
        %swap3A_220 = arith.index_cast %add3A_219 : i32 to index
        %swap3A_221 = tpu.vector_load %arg8[%swap3A_220] {strides = array<i32>} : memref<8192xf32, #tpu.memory_space<vmem>>, vector<16xf32>,
        tpu.vector_store %arg8[%swap3A_220], %gather3A_217 {strides = array<i32>} : memref<8192xf32, #tpu.memory_space<vmem>>, vector<16xf32>,
        %add3A_222 = arith.constant 64 : i32
        %add3A_223 = arith.addi %mul3A_188, %add3A_222 : i32
        %get3A_224 = arith.index_cast %add3A_223 : i32 to index
        %get3A_225 = tpu.vector_load %arg5[%get3A_224] {strides = array<i32>} : memref<8192xi32, #tpu.memory_space<vmem>>, vector<16xi32>,
        %gather3A_226 = tpu.vector_load_idx %arg6[%get3A_225] : memref<8192xf32, #tpu.memory_space<vmem>>[vector<16xi32>], vector<16xf32>,
        %add3A_227 = arith.constant 64 : i32
        %add3A_228 = arith.addi %mul3A_188, %add3A_227 : i32
        %swap3A_229 = arith.index_cast %add3A_228 : i32 to index
        %swap3A_230 = tpu.vector_load %arg8[%swap3A_229] {strides = array<i32>} : memref<8192xf32, #tpu.memory_space<vmem>>, vector<16xf32>,
        tpu.vector_store %arg8[%swap3A_229], %gather3A_226 {strides = array<i32>} : memref<8192xf32, #tpu.memory_space<vmem>>, vector<16xf32>,
        %add3A_231 = arith.constant 80 : i32
        %add3A_232 = arith.addi %mul3A_188, %add3A_231 : i32
        %get3A_233 = arith.index_cast %add3A_232 : i32 to index
        %get3A_234 = tpu.vector_load %arg5[%get3A_233] {strides = array<i32>} : memref<8192xi32, #tpu.memory_space<vmem>>, vector<16xi32>,
        %gather3A_235 = tpu.vector_load_idx %arg6[%get3A_234] : memref<8192xf32, #tpu.memory_space<vmem>>[vector<16xi32>], vector<16xf32>,
        %add3A_236 = arith.constant 80 : i32
        %add3A_237 = arith.addi %mul3A_188, %add3A_236 : i32
        %swap3A_238 = arith.index_cast %add3A_237 : i32 to index
        %swap3A_239 = tpu.vector_load %arg8[%swap3A_238] {strides = array<i32>} : memref<8192xf32, #tpu.memory_space<vmem>>, vector<16xf32>,
        tpu.vector_store %arg8[%swap3A_238], %gather3A_235 {strides = array<i32>} : memref<8192xf32, #tpu.memory_space<vmem>>, vector<16xf32>,
        %add3A_240 = arith.constant 96 : i32
        %add3A_241 = arith.addi %mul3A_188, %add3A_240 : i32
        %get3A_242 = arith.index_cast %add3A_241 : i32 to index
        %get3A_243 = tpu.vector_load %arg5[%get3A_242] {strides = array<i32>} : memref<8192xi32, #tpu.memory_space<vmem>>, vector<16xi32>,
        %gather3A_244 = tpu.vector_load_idx %arg6[%get3A_243] : memref<8192xf32, #tpu.memory_space<vmem>>[vector<16xi32>], vector<16xf32>,
        %add3A_245 = arith.constant 96 : i32
        %add3A_246 = arith.addi %mul3A_188, %add3A_245 : i32
        %swap3A_247 = arith.index_cast %add3A_246 : i32 to index
        %swap3A_248 = tpu.vector_load %arg8[%swap3A_247] {strides = array<i32>} : memref<8192xf32, #tpu.memory_space<vmem>>, vector<16xf32>,
        tpu.vector_store %arg8[%swap3A_247], %gather3A_244 {strides = array<i32>} : memref<8192xf32, #tpu.memory_space<vmem>>, vector<16xf32>,
        %add3A_249 = arith.constant 112 : i32
        %add3A_250 = arith.addi %mul3A_188, %add3A_249 : i32
        %get3A_251 = arith.index_cast %add3A_250 : i32 to index
        %get3A_252 = tpu.vector_load %arg5[%get3A_251] {strides = array<i32>} : memref<8192xi32, #tpu.memory_space<vmem>>, vector<16xi32>,
        %gather3A_253 = tpu.vector_load_idx %arg6[%get3A_252] : memref<8192xf32, #tpu.memory_space<vmem>>[vector<16xi32>], vector<16xf32>,
        %add3A_254 = arith.constant 112 : i32
        %add3A_255 = arith.addi %mul3A_188, %add3A_254 : i32
        %swap3A_256 = arith.index_cast %add3A_255 : i32 to index
        %swap3A_257 = tpu.vector_load %arg8[%swap3A_256] {strides = array<i32>} : memref<8192xf32, #tpu.memory_space<vmem>>, vector<16xf32>,
        tpu.vector_store %arg8[%swap3A_256], %gather3A_253 {strides = array<i32>} : memref<8192xf32, #tpu.memory_space<vmem>>, vector<16xf32>,
      }
      %scan3A_178 = arith.constant 64 : i32
      %add3A_179 = arith.constant 0 : i32
      %add3A_180 = arith.addi %select_n3A_30, %add3A_179 : i32
      %dma_start3A = arith.constant 0 : i32
      %dma_start3A_181 = tpu.memref_slice %arg4[%select_n3A, %add3A_180, %dma_start3A] : memref<4x68x8192xf32, #tpu.memory_space<hbm>> -> memref<1x1x8192xf32, #tpu.memory_space<hbm>>
      %dma_start3A_182 = tpu.memref_squeeze %dma_start3A_181 : memref<1x1x8192xf32, #tpu.memory_space<hbm>> -> memref<8192xf32, #tpu.memory_space<hbm>>
      %dma_start3A_183 = arith.constant 0 : i32
      %dma_start3A_184 = tpu.memref_slice %arg4[%select_n3A, %add3A_180, %dma_start3A_183] : memref<4x68x8192xf32, #tpu.memory_space<hbm>> -> memref<1x1x8192xf32, #tpu.memory_space<hbm>>
      %dma_start3A_185 = tpu.memref_squeeze %dma_start3A_184 : memref<1x1x8192xf32, #tpu.memory_space<hbm>> -> memref<8192xf32, #tpu.memory_space<hbm>>
      tpu.enqueue_dma source(%arg8 : memref<8192xf32, #tpu.memory_space<vmem>>) target(%dma_start3A_185 : memref<8192xf32, #tpu.memory_space<hbm>>) target_semaphore(%arg12 : memref<!tpu.dma_semaphore, #tpu.memory_space<semaphore_mem>>)
    } else {
    }
    %add3A_48 = arith.constant 8 : i32
    %add3A_49 = arith.addi %select_n3A_30, %add3A_48 : i32
    %add3A_50 = arith.constant 8 : i32
    %add3A_51 = arith.addi %add3A_49, %add3A_50 : i32
    %lt3A_52 = arith.constant 68 : i32
    %lt3A_53 = arith.cmpi slt, %add3A_51, %lt3A_52 : i32
    %convert_element_type3A_54 = arith.extui %lt3A_53 : i1 to i32
    %cond3A_55 = arith.constant 0 : i32
    %cond3A_56 = arith.cmpi ne, %convert_element_type3A_54, %cond3A_55 : i32
    scf.if %cond3A_56 {
      %add3A_167 = arith.constant 16 : i32
      %add3A_168 = arith.addi %select_n3A_30, %add3A_167 : i32
      %dma_start3A = arith.constant 0 : i32
      %dma_start3A_169 = tpu.memref_slice %arg3[%select_n3A, %add3A_168, %dma_start3A] : memref<4x68x8192xf32, #tpu.memory_space<hbm>> -> memref<1x1x8192xf32, #tpu.memory_space<hbm>>
      %dma_start3A_170 = tpu.memref_squeeze %dma_start3A_169 : memref<1x1x8192xf32, #tpu.memory_space<hbm>> -> memref<8192xf32, #tpu.memory_space<hbm>>
      %dma_start3A_171 = arith.constant 0 : i32
      %dma_start3A_172 = tpu.memref_slice %arg3[%select_n3A, %add3A_168, %dma_start3A_171] : memref<4x68x8192xf32, #tpu.memory_space<hbm>> -> memref<1x1x8192xf32, #tpu.memory_space<hbm>>
      %dma_start3A_173 = tpu.memref_squeeze %dma_start3A_172 : memref<1x1x8192xf32, #tpu.memory_space<hbm>> -> memref<8192xf32, #tpu.memory_space<hbm>>
      tpu.enqueue_dma source(%dma_start3A_173 : memref<8192xf32, #tpu.memory_space<hbm>>) target(%arg6 : memref<8192xf32, #tpu.memory_space<vmem>>) target_semaphore(%arg10 : memref<!tpu.dma_semaphore, #tpu.memory_space<semaphore_mem>>)
    } else {
    }
    %lt3A_57 = arith.constant 68 : i32
    %lt3A_58 = arith.cmpi slt, %add3A_49, %lt3A_57 : i32
    %convert_element_type3A_59 = arith.extui %lt3A_58 : i1 to i32
    %cond3A_60 = arith.constant 0 : i32
    %cond3A_61 = arith.cmpi ne, %convert_element_type3A_59, %cond3A_60 : i32
    scf.if %cond3A_61 {
      %add3A_167 = arith.constant 8 : i32
      %add3A_168 = arith.addi %select_n3A_30, %add3A_167 : i32
      %dma_wait3A = arith.constant 0 : i32
      %dma_wait3A_169 = tpu.memref_slice %arg3[%select_n3A, %add3A_168, %dma_wait3A] : memref<4x68x8192xf32, #tpu.memory_space<hbm>> -> memref<1x1x8192xf32, #tpu.memory_space<hbm>>
      %dma_wait3A_170 = tpu.memref_squeeze %dma_wait3A_169 : memref<1x1x8192xf32, #tpu.memory_space<hbm>> -> memref<8192xf32, #tpu.memory_space<hbm>>
      %dma_wait3A_171 = arith.constant 0 : i32
      %dma_wait3A_172 = tpu.memref_slice %arg3[%select_n3A, %add3A_168, %dma_wait3A_171] : memref<4x68x8192xf32, #tpu.memory_space<hbm>> -> memref<1x1x8192xf32, #tpu.memory_space<hbm>>
      %dma_wait3A_173 = tpu.memref_squeeze %dma_wait3A_172 : memref<1x1x8192xf32, #tpu.memory_space<hbm>> -> memref<8192xf32, #tpu.memory_space<hbm>>
      tpu.wait_dma2 semaphore(%arg11 : memref<!tpu.dma_semaphore, #tpu.memory_space<semaphore_mem>>) src(%dma_wait3A_173 : memref<8192xf32, #tpu.memory_space<hbm>>) dst(%arg7 : memref<8192xf32, #tpu.memory_space<vmem>>)
      %scan3A = arith.constant 0 : i32
      %scan3A_174 = arith.constant 0 : i32
      %scan3A_175 = arith.constant 64 : i32
      %scan3A_176 = arith.addi %scan3A_174, %scan3A_175 : i32
      %scan3A_177 = arith.constant 1 : i32
      scf.for %scan3A_186 = %scan3A_174 to %scan3A_176 step %scan3A_177  : i32 {
        %mul3A_187 = arith.constant 128 : i32
        %mul3A_188 = arith.muli %scan3A_186, %mul3A_187 : i32
        %add3A_189 = arith.constant 0 : i32
        %add3A_190 = arith.addi %mul3A_188, %add3A_189 : i32
        %get3A = arith.index_cast %add3A_190 : i32 to index
        %get3A_191 = tpu.vector_load %arg5[%get3A] {strides = array<i32>} : memref<8192xi32, #tpu.memory_space<vmem>>, vector<16xi32>,
        %gather3A = tpu.vector_load_idx %arg7[%get3A_191] : memref<8192xf32, #tpu.memory_space<vmem>>[vector<16xi32>], vector<16xf32>,
        %add3A_192 = arith.constant 0 : i32
        %add3A_193 = arith.addi %mul3A_188, %add3A_192 : i32
        %swap3A = arith.index_cast %add3A_193 : i32 to index
        %swap3A_194 = tpu.vector_load %arg9[%swap3A] {strides = array<i32>} : memref<8192xf32, #tpu.memory_space<vmem>>, vector<16xf32>,
        tpu.vector_store %arg9[%swap3A], %gather3A {strides = array<i32>} : memref<8192xf32, #tpu.memory_space<vmem>>, vector<16xf32>,
        %add3A_195 = arith.constant 16 : i32
        %add3A_196 = arith.addi %mul3A_188, %add3A_195 : i32
        %get3A_197 = arith.index_cast %add3A_196 : i32 to index
        %get3A_198 = tpu.vector_load %arg5[%get3A_197] {strides = array<i32>} : memref<8192xi32, #tpu.memory_space<vmem>>, vector<16xi32>,
        %gather3A_199 = tpu.vector_load_idx %arg7[%get3A_198] : memref<8192xf32, #tpu.memory_space<vmem>>[vector<16xi32>], vector<16xf32>,
        %add3A_200 = arith.constant 16 : i32
        %add3A_201 = arith.addi %mul3A_188, %add3A_200 : i32
        %swap3A_202 = arith.index_cast %add3A_201 : i32 to index
        %swap3A_203 = tpu.vector_load %arg9[%swap3A_202] {strides = array<i32>} : memref<8192xf32, #tpu.memory_space<vmem>>, vector<16xf32>,
        tpu.vector_store %arg9[%swap3A_202], %gather3A_199 {strides = array<i32>} : memref<8192xf32, #tpu.memory_space<vmem>>, vector<16xf32>,
        %add3A_204 = arith.constant 32 : i32
        %add3A_205 = arith.addi %mul3A_188, %add3A_204 : i32
        %get3A_206 = arith.index_cast %add3A_205 : i32 to index
        %get3A_207 = tpu.vector_load %arg5[%get3A_206] {strides = array<i32>} : memref<8192xi32, #tpu.memory_space<vmem>>, vector<16xi32>,
        %gather3A_208 = tpu.vector_load_idx %arg7[%get3A_207] : memref<8192xf32, #tpu.memory_space<vmem>>[vector<16xi32>], vector<16xf32>,
        %add3A_209 = arith.constant 32 : i32
        %add3A_210 = arith.addi %mul3A_188, %add3A_209 : i32
        %swap3A_211 = arith.index_cast %add3A_210 : i32 to index
        %swap3A_212 = tpu.vector_load %arg9[%swap3A_211] {strides = array<i32>} : memref<8192xf32, #tpu.memory_space<vmem>>, vector<16xf32>,
        tpu.vector_store %arg9[%swap3A_211], %gather3A_208 {strides = array<i32>} : memref<8192xf32, #tpu.memory_space<vmem>>, vector<16xf32>,
        %add3A_213 = arith.constant 48 : i32
        %add3A_214 = arith.addi %mul3A_188, %add3A_213 : i32
        %get3A_215 = arith.index_cast %add3A_214 : i32 to index
        %get3A_216 = tpu.vector_load %arg5[%get3A_215] {strides = array<i32>} : memref<8192xi32, #tpu.memory_space<vmem>>, vector<16xi32>,
        %gather3A_217 = tpu.vector_load_idx %arg7[%get3A_216] : memref<8192xf32, #tpu.memory_space<vmem>>[vector<16xi32>], vector<16xf32>,
        %add3A_218 = arith.constant 48 : i32
        %add3A_219 = arith.addi %mul3A_188, %add3A_218 : i32
        %swap3A_220 = arith.index_cast %add3A_219 : i32 to index
        %swap3A_221 = tpu.vector_load %arg9[%swap3A_220] {strides = array<i32>} : memref<8192xf32, #tpu.memory_space<vmem>>, vector<16xf32>,
        tpu.vector_store %arg9[%swap3A_220], %gather3A_217 {strides = array<i32>} : memref<8192xf32, #tpu.memory_space<vmem>>, vector<16xf32>,
        %add3A_222 = arith.constant 64 : i32
        %add3A_223 = arith.addi %mul3A_188, %add3A_222 : i32
        %get3A_224 = arith.index_cast %add3A_223 : i32 to index
        %get3A_225 = tpu.vector_load %arg5[%get3A_224] {strides = array<i32>} : memref<8192xi32, #tpu.memory_space<vmem>>, vector<16xi32>,
        %gather3A_226 = tpu.vector_load_idx %arg7[%get3A_225] : memref<8192xf32, #tpu.memory_space<vmem>>[vector<16xi32>], vector<16xf32>,
        %add3A_227 = arith.constant 64 : i32
        %add3A_228 = arith.addi %mul3A_188, %add3A_227 : i32
        %swap3A_229 = arith.index_cast %add3A_228 : i32 to index
        %swap3A_230 = tpu.vector_load %arg9[%swap3A_229] {strides = array<i32>} : memref<8192xf32, #tpu.memory_space<vmem>>, vector<16xf32>,
        tpu.vector_store %arg9[%swap3A_229], %gather3A_226 {strides = array<i32>} : memref<8192xf32, #tpu.memory_space<vmem>>, vector<16xf32>,
        %add3A_231 = arith.constant 80 : i32
        %add3A_232 = arith.addi %mul3A_188, %add3A_231 : i32
        %get3A_233 = arith.index_cast %add3A_232 : i32 to index
        %get3A_234 = tpu.vector_load %arg5[%get3A_233] {strides = array<i32>} : memref<8192xi32, #tpu.memory_space<vmem>>, vector<16xi32>,
        %gather3A_235 = tpu.vector_load_idx %arg7[%get3A_234] : memref<8192xf32, #tpu.memory_space<vmem>>[vector<16xi32>], vector<16xf32>,
        %add3A_236 = arith.constant 80 : i32
        %add3A_237 = arith.addi %mul3A_188, %add3A_236 : i32
        %swap3A_238 = arith.index_cast %add3A_237 : i32 to index
        %swap3A_239 = tpu.vector_load %arg9[%swap3A_238] {strides = array<i32>} : memref<8192xf32, #tpu.memory_space<vmem>>, vector<16xf32>,
        tpu.vector_store %arg9[%swap3A_238], %gather3A_235 {strides = array<i32>} : memref<8192xf32, #tpu.memory_space<vmem>>, vector<16xf32>,
        %add3A_240 = arith.constant 96 : i32
        %add3A_241 = arith.addi %mul3A_188, %add3A_240 : i32
        %get3A_242 = arith.index_cast %add3A_241 : i32 to index
        %get3A_243 = tpu.vector_load %arg5[%get3A_242] {strides = array<i32>} : memref<8192xi32, #tpu.memory_space<vmem>>, vector<16xi32>,
        %gather3A_244 = tpu.vector_load_idx %arg7[%get3A_243] : memref<8192xf32, #tpu.memory_space<vmem>>[vector<16xi32>], vector<16xf32>,
        %add3A_245 = arith.constant 96 : i32
        %add3A_246 = arith.addi %mul3A_188, %add3A_245 : i32
        %swap3A_247 = arith.index_cast %add3A_246 : i32 to index
        %swap3A_248 = tpu.vector_load %arg9[%swap3A_247] {strides = array<i32>} : memref<8192xf32, #tpu.memory_space<vmem>>, vector<16xf32>,
        tpu.vector_store %arg9[%swap3A_247], %gather3A_244 {strides = array<i32>} : memref<8192xf32, #tpu.memory_space<vmem>>, vector<16xf32>,
        %add3A_249 = arith.constant 112 : i32
        %add3A_250 = arith.addi %mul3A_188, %add3A_249 : i32
        %get3A_251 = arith.index_cast %add3A_250 : i32 to index
        %get3A_252 = tpu.vector_load %arg5[%get3A_251] {strides = array<i32>} : memref<8192xi32, #tpu.memory_space<vmem>>, vector<16xi32>,
        %gather3A_253 = tpu.vector_load_idx %arg7[%get3A_252] : memref<8192xf32, #tpu.memory_space<vmem>>[vector<16xi32>], vector<16xf32>,
        %add3A_254 = arith.constant 112 : i32
        %add3A_255 = arith.addi %mul3A_188, %add3A_254 : i32
        %swap3A_256 = arith.index_cast %add3A_255 : i32 to index
        %swap3A_257 = tpu.vector_load %arg9[%swap3A_256] {strides = array<i32>} : memref<8192xf32, #tpu.memory_space<vmem>>, vector<16xf32>,
        tpu.vector_store %arg9[%swap3A_256], %gather3A_253 {strides = array<i32>} : memref<8192xf32, #tpu.memory_space<vmem>>, vector<16xf32>,
      }
      %scan3A_178 = arith.constant 64 : i32
      %add3A_179 = arith.constant 8 : i32
      %add3A_180 = arith.addi %select_n3A_30, %add3A_179 : i32
      %dma_start3A = arith.constant 0 : i32
      %dma_start3A_181 = tpu.memref_slice %arg4[%select_n3A, %add3A_180, %dma_start3A] : memref<4x68x8192xf32, #tpu.memory_space<hbm>> -> memref<1x1x8192xf32, #tpu.memory_space<hbm>>
      %dma_start3A_182 = tpu.memref_squeeze %dma_start3A_181 : memref<1x1x8192xf32, #tpu.memory_space<hbm>> -> memref<8192xf32, #tpu.memory_space<hbm>>
      %dma_start3A_183 = arith.constant 0 : i32
      %dma_start3A_184 = tpu.memref_slice %arg4[%select_n3A, %add3A_180, %dma_start3A_183] : memref<4x68x8192xf32, #tpu.memory_space<hbm>> -> memref<1x1x8192xf32, #tpu.memory_space<hbm>>
      %dma_start3A_185 = tpu.memref_squeeze %dma_start3A_184 : memref<1x1x8192xf32, #tpu.memory_space<hbm>> -> memref<8192xf32, #tpu.memory_space<hbm>>
      tpu.enqueue_dma source(%arg9 : memref<8192xf32, #tpu.memory_space<vmem>>) target(%dma_start3A_185 : memref<8192xf32, #tpu.memory_space<hbm>>) target_semaphore(%arg13 : memref<!tpu.dma_semaphore, #tpu.memory_space<semaphore_mem>>)
    } else {
    }
    %add3A_62 = arith.constant 16 : i32
    %add3A_63 = arith.addi %select_n3A_30, %add3A_62 : i32
    %add3A_64 = arith.constant 8 : i32
    %add3A_65 = arith.addi %add3A_63, %add3A_64 : i32
    %lt3A_66 = arith.constant 68 : i32
    %lt3A_67 = arith.cmpi slt, %add3A_65, %lt3A_66 : i32
    %convert_element_type3A_68 = arith.extui %lt3A_67 : i1 to i32
    %cond3A_69 = arith.constant 0 : i32
    %cond3A_70 = arith.cmpi ne, %convert_element_type3A_68, %cond3A_69 : i32
    scf.if %cond3A_70 {
      %add3A_167 = arith.constant 24 : i32
      %add3A_168 = arith.addi %select_n3A_30, %add3A_167 : i32
      %dma_start3A = arith.constant 0 : i32
      %dma_start3A_169 = tpu.memref_slice %arg3[%select_n3A, %add3A_168, %dma_start3A] : memref<4x68x8192xf32, #tpu.memory_space<hbm>> -> memref<1x1x8192xf32, #tpu.memory_space<hbm>>
      %dma_start3A_170 = tpu.memref_squeeze %dma_start3A_169 : memref<1x1x8192xf32, #tpu.memory_space<hbm>> -> memref<8192xf32, #tpu.memory_space<hbm>>
      %dma_start3A_171 = arith.constant 0 : i32
      %dma_start3A_172 = tpu.memref_slice %arg3[%select_n3A, %add3A_168, %dma_start3A_171] : memref<4x68x8192xf32, #tpu.memory_space<hbm>> -> memref<1x1x8192xf32, #tpu.memory_space<hbm>>
      %dma_start3A_173 = tpu.memref_squeeze %dma_start3A_172 : memref<1x1x8192xf32, #tpu.memory_space<hbm>> -> memref<8192xf32, #tpu.memory_space<hbm>>
      tpu.enqueue_dma source(%dma_start3A_173 : memref<8192xf32, #tpu.memory_space<hbm>>) target(%arg7 : memref<8192xf32, #tpu.memory_space<vmem>>) target_semaphore(%arg11 : memref<!tpu.dma_semaphore, #tpu.memory_space<semaphore_mem>>)
    } else {
    }
    %lt3A_71 = arith.constant 68 : i32
    %lt3A_72 = arith.cmpi slt, %add3A_63, %lt3A_71 : i32
    %convert_element_type3A_73 = arith.extui %lt3A_72 : i1 to i32
    %cond3A_74 = arith.constant 0 : i32
    %cond3A_75 = arith.cmpi ne, %convert_element_type3A_73, %cond3A_74 : i32
    scf.if %cond3A_75 {
      %add3A_167 = arith.constant 16 : i32
      %add3A_168 = arith.addi %select_n3A_30, %add3A_167 : i32
      %dma_wait3A = arith.constant 0 : i32
      %dma_wait3A_169 = tpu.memref_slice %arg3[%select_n3A, %add3A_168, %dma_wait3A] : memref<4x68x8192xf32, #tpu.memory_space<hbm>> -> memref<1x1x8192xf32, #tpu.memory_space<hbm>>
      %dma_wait3A_170 = tpu.memref_squeeze %dma_wait3A_169 : memref<1x1x8192xf32, #tpu.memory_space<hbm>> -> memref<8192xf32, #tpu.memory_space<hbm>>
      %dma_wait3A_171 = arith.constant 0 : i32
      %dma_wait3A_172 = tpu.memref_slice %arg3[%select_n3A, %add3A_168, %dma_wait3A_171] : memref<4x68x8192xf32, #tpu.memory_space<hbm>> -> memref<1x1x8192xf32, #tpu.memory_space<hbm>>
      %dma_wait3A_173 = tpu.memref_squeeze %dma_wait3A_172 : memref<1x1x8192xf32, #tpu.memory_space<hbm>> -> memref<8192xf32, #tpu.memory_space<hbm>>
      tpu.wait_dma2 semaphore(%arg10 : memref<!tpu.dma_semaphore, #tpu.memory_space<semaphore_mem>>) src(%dma_wait3A_173 : memref<8192xf32, #tpu.memory_space<hbm>>) dst(%arg6 : memref<8192xf32, #tpu.memory_space<vmem>>)
      %scan3A = arith.constant 0 : i32
      %scan3A_174 = arith.constant 0 : i32
      %scan3A_175 = arith.constant 64 : i32
      %scan3A_176 = arith.addi %scan3A_174, %scan3A_175 : i32
      %scan3A_177 = arith.constant 1 : i32
      scf.for %scan3A_194 = %scan3A_174 to %scan3A_176 step %scan3A_177  : i32 {
        %mul3A_195 = arith.constant 128 : i32
        %mul3A_196 = arith.muli %scan3A_194, %mul3A_195 : i32
        %add3A_197 = arith.constant 0 : i32
        %add3A_198 = arith.addi %mul3A_196, %add3A_197 : i32
        %get3A = arith.index_cast %add3A_198 : i32 to index
        %get3A_199 = tpu.vector_load %arg5[%get3A] {strides = array<i32>} : memref<8192xi32, #tpu.memory_space<vmem>>, vector<16xi32>,
        %gather3A = tpu.vector_load_idx %arg6[%get3A_199] : memref<8192xf32, #tpu.memory_space<vmem>>[vector<16xi32>], vector<16xf32>,
        %add3A_200 = arith.constant 0 : i32
        %add3A_201 = arith.addi %mul3A_196, %add3A_200 : i32
        %swap3A = arith.index_cast %add3A_201 : i32 to index
        %swap3A_202 = tpu.vector_load %arg8[%swap3A] {strides = array<i32>} : memref<8192xf32, #tpu.memory_space<vmem>>, vector<16xf32>,
        tpu.vector_store %arg8[%swap3A], %gather3A {strides = array<i32>} : memref<8192xf32, #tpu.memory_space<vmem>>, vector<16xf32>,
        %add3A_203 = arith.constant 16 : i32
        %add3A_204 = arith.addi %mul3A_196, %add3A_203 : i32
        %get3A_205 = arith.index_cast %add3A_204 : i32 to index
        %get3A_206 = tpu.vector_load %arg5[%get3A_205] {strides = array<i32>} : memref<8192xi32, #tpu.memory_space<vmem>>, vector<16xi32>,
        %gather3A_207 = tpu.vector_load_idx %arg6[%get3A_206] : memref<8192xf32, #tpu.memory_space<vmem>>[vector<16xi32>], vector<16xf32>,
        %add3A_208 = arith.constant 16 : i32
        %add3A_209 = arith.addi %mul3A_196, %add3A_208 : i32
        %swap3A_210 = arith.index_cast %add3A_209 : i32 to index
        %swap3A_211 = tpu.vector_load %arg8[%swap3A_210] {strides = array<i32>} : memref<8192xf32, #tpu.memory_space<vmem>>, vector<16xf32>,
        tpu.vector_store %arg8[%swap3A_210], %gather3A_207 {strides = array<i32>} : memref<8192xf32, #tpu.memory_space<vmem>>, vector<16xf32>,
        %add3A_212 = arith.constant 32 : i32
        %add3A_213 = arith.addi %mul3A_196, %add3A_212 : i32
        %get3A_214 = arith.index_cast %add3A_213 : i32 to index
        %get3A_215 = tpu.vector_load %arg5[%get3A_214] {strides = array<i32>} : memref<8192xi32, #tpu.memory_space<vmem>>, vector<16xi32>,
        %gather3A_216 = tpu.vector_load_idx %arg6[%get3A_215] : memref<8192xf32, #tpu.memory_space<vmem>>[vector<16xi32>], vector<16xf32>,
        %add3A_217 = arith.constant 32 : i32
        %add3A_218 = arith.addi %mul3A_196, %add3A_217 : i32
        %swap3A_219 = arith.index_cast %add3A_218 : i32 to index
        %swap3A_220 = tpu.vector_load %arg8[%swap3A_219] {strides = array<i32>} : memref<8192xf32, #tpu.memory_space<vmem>>, vector<16xf32>,
        tpu.vector_store %arg8[%swap3A_219], %gather3A_216 {strides = array<i32>} : memref<8192xf32, #tpu.memory_space<vmem>>, vector<16xf32>,
        %add3A_221 = arith.constant 48 : i32
        %add3A_222 = arith.addi %mul3A_196, %add3A_221 : i32
        %get3A_223 = arith.index_cast %add3A_222 : i32 to index
        %get3A_224 = tpu.vector_load %arg5[%get3A_223] {strides = array<i32>} : memref<8192xi32, #tpu.memory_space<vmem>>, vector<16xi32>,
        %gather3A_225 = tpu.vector_load_idx %arg6[%get3A_224] : memref<8192xf32, #tpu.memory_space<vmem>>[vector<16xi32>], vector<16xf32>,
        %add3A_226 = arith.constant 48 : i32
        %add3A_227 = arith.addi %mul3A_196, %add3A_226 : i32
        %swap3A_228 = arith.index_cast %add3A_227 : i32 to index
        %swap3A_229 = tpu.vector_load %arg8[%swap3A_228] {strides = array<i32>} : memref<8192xf32, #tpu.memory_space<vmem>>, vector<16xf32>,
        tpu.vector_store %arg8[%swap3A_228], %gather3A_225 {strides = array<i32>} : memref<8192xf32, #tpu.memory_space<vmem>>, vector<16xf32>,
        %add3A_230 = arith.constant 64 : i32
        %add3A_231 = arith.addi %mul3A_196, %add3A_230 : i32
        %get3A_232 = arith.index_cast %add3A_231 : i32 to index
        %get3A_233 = tpu.vector_load %arg5[%get3A_232] {strides = array<i32>} : memref<8192xi32, #tpu.memory_space<vmem>>, vector<16xi32>,
        %gather3A_234 = tpu.vector_load_idx %arg6[%get3A_233] : memref<8192xf32, #tpu.memory_space<vmem>>[vector<16xi32>], vector<16xf32>,
        %add3A_235 = arith.constant 64 : i32
        %add3A_236 = arith.addi %mul3A_196, %add3A_235 : i32
        %swap3A_237 = arith.index_cast %add3A_236 : i32 to index
        %swap3A_238 = tpu.vector_load %arg8[%swap3A_237] {strides = array<i32>} : memref<8192xf32, #tpu.memory_space<vmem>>, vector<16xf32>,
        tpu.vector_store %arg8[%swap3A_237], %gather3A_234 {strides = array<i32>} : memref<8192xf32, #tpu.memory_space<vmem>>, vector<16xf32>,
        %add3A_239 = arith.constant 80 : i32
        %add3A_240 = arith.addi %mul3A_196, %add3A_239 : i32
        %get3A_241 = arith.index_cast %add3A_240 : i32 to index
        %get3A_242 = tpu.vector_load %arg5[%get3A_241] {strides = array<i32>} : memref<8192xi32, #tpu.memory_space<vmem>>, vector<16xi32>,
        %gather3A_243 = tpu.vector_load_idx %arg6[%get3A_242] : memref<8192xf32, #tpu.memory_space<vmem>>[vector<16xi32>], vector<16xf32>,
        %add3A_244 = arith.constant 80 : i32
        %add3A_245 = arith.addi %mul3A_196, %add3A_244 : i32
        %swap3A_246 = arith.index_cast %add3A_245 : i32 to index
        %swap3A_247 = tpu.vector_load %arg8[%swap3A_246] {strides = array<i32>} : memref<8192xf32, #tpu.memory_space<vmem>>, vector<16xf32>,
        tpu.vector_store %arg8[%swap3A_246], %gather3A_243 {strides = array<i32>} : memref<8192xf32, #tpu.memory_space<vmem>>, vector<16xf32>,
        %add3A_248 = arith.constant 96 : i32
        %add3A_249 = arith.addi %mul3A_196, %add3A_248 : i32
        %get3A_250 = arith.index_cast %add3A_249 : i32 to index
        %get3A_251 = tpu.vector_load %arg5[%get3A_250] {strides = array<i32>} : memref<8192xi32, #tpu.memory_space<vmem>>, vector<16xi32>,
        %gather3A_252 = tpu.vector_load_idx %arg6[%get3A_251] : memref<8192xf32, #tpu.memory_space<vmem>>[vector<16xi32>], vector<16xf32>,
        %add3A_253 = arith.constant 96 : i32
        %add3A_254 = arith.addi %mul3A_196, %add3A_253 : i32
        %swap3A_255 = arith.index_cast %add3A_254 : i32 to index
        %swap3A_256 = tpu.vector_load %arg8[%swap3A_255] {strides = array<i32>} : memref<8192xf32, #tpu.memory_space<vmem>>, vector<16xf32>,
        tpu.vector_store %arg8[%swap3A_255], %gather3A_252 {strides = array<i32>} : memref<8192xf32, #tpu.memory_space<vmem>>, vector<16xf32>,
        %add3A_257 = arith.constant 112 : i32
        %add3A_258 = arith.addi %mul3A_196, %add3A_257 : i32
        %get3A_259 = arith.index_cast %add3A_258 : i32 to index
        %get3A_260 = tpu.vector_load %arg5[%get3A_259] {strides = array<i32>} : memref<8192xi32, #tpu.memory_space<vmem>>, vector<16xi32>,
        %gather3A_261 = tpu.vector_load_idx %arg6[%get3A_260] : memref<8192xf32, #tpu.memory_space<vmem>>[vector<16xi32>], vector<16xf32>,
        %add3A_262 = arith.constant 112 : i32
        %add3A_263 = arith.addi %mul3A_196, %add3A_262 : i32
        %swap3A_264 = arith.index_cast %add3A_263 : i32 to index
        %swap3A_265 = tpu.vector_load %arg8[%swap3A_264] {strides = array<i32>} : memref<8192xf32, #tpu.memory_space<vmem>>, vector<16xf32>,
        tpu.vector_store %arg8[%swap3A_264], %gather3A_261 {strides = array<i32>} : memref<8192xf32, #tpu.memory_space<vmem>>, vector<16xf32>,
      }
      %scan3A_178 = arith.constant 64 : i32
      %add3A_179 = arith.constant 0 : i32
      %add3A_180 = arith.addi %select_n3A_30, %add3A_179 : i32
      %dma_wait3A_181 = arith.constant 0 : i32
      %dma_wait3A_182 = tpu.memref_slice %arg4[%select_n3A, %add3A_180, %dma_wait3A_181] : memref<4x68x8192xf32, #tpu.memory_space<hbm>> -> memref<1x1x8192xf32, #tpu.memory_space<hbm>>
      %dma_wait3A_183 = tpu.memref_squeeze %dma_wait3A_182 : memref<1x1x8192xf32, #tpu.memory_space<hbm>> -> memref<8192xf32, #tpu.memory_space<hbm>>
      %dma_wait3A_184 = arith.constant 0 : i32
      %dma_wait3A_185 = tpu.memref_slice %arg4[%select_n3A, %add3A_180, %dma_wait3A_184] : memref<4x68x8192xf32, #tpu.memory_space<hbm>> -> memref<1x1x8192xf32, #tpu.memory_space<hbm>>
      %dma_wait3A_186 = tpu.memref_squeeze %dma_wait3A_185 : memref<1x1x8192xf32, #tpu.memory_space<hbm>> -> memref<8192xf32, #tpu.memory_space<hbm>>
      tpu.wait_dma2 semaphore(%arg12 : memref<!tpu.dma_semaphore, #tpu.memory_space<semaphore_mem>>) src(%arg8 : memref<8192xf32, #tpu.memory_space<vmem>>) dst(%dma_wait3A_186 : memref<8192xf32, #tpu.memory_space<hbm>>)
      %add3A_187 = arith.constant 16 : i32
      %add3A_188 = arith.addi %select_n3A_30, %add3A_187 : i32
      %dma_start3A = arith.constant 0 : i32
      %dma_start3A_189 = tpu.memref_slice %arg4[%select_n3A, %add3A_188, %dma_start3A] : memref<4x68x8192xf32, #tpu.memory_space<hbm>> -> memref<1x1x8192xf32, #tpu.memory_space<hbm>>
      %dma_start3A_190 = tpu.memref_squeeze %dma_start3A_189 : memref<1x1x8192xf32, #tpu.memory_space<hbm>> -> memref<8192xf32, #tpu.memory_space<hbm>>
      %dma_start3A_191 = arith.constant 0 : i32
      %dma_start3A_192 = tpu.memref_slice %arg4[%select_n3A, %add3A_188, %dma_start3A_191] : memref<4x68x8192xf32, #tpu.memory_space<hbm>> -> memref<1x1x8192xf32, #tpu.memory_space<hbm>>
      %dma_start3A_193 = tpu.memref_squeeze %dma_start3A_192 : memref<1x1x8192xf32, #tpu.memory_space<hbm>> -> memref<8192xf32, #tpu.memory_space<hbm>>
      tpu.enqueue_dma source(%arg8 : memref<8192xf32, #tpu.memory_space<vmem>>) target(%dma_start3A_193 : memref<8192xf32, #tpu.memory_space<hbm>>) target_semaphore(%arg12 : memref<!tpu.dma_semaphore, #tpu.memory_space<semaphore_mem>>)
    } else {
    }
    %add3A_76 = arith.constant 24 : i32
    %add3A_77 = arith.addi %select_n3A_30, %add3A_76 : i32
    %add3A_78 = arith.constant 8 : i32
    %add3A_79 = arith.addi %add3A_77, %add3A_78 : i32
    %lt3A_80 = arith.constant 68 : i32
    %lt3A_81 = arith.cmpi slt, %add3A_79, %lt3A_80 : i32
    %convert_element_type3A_82 = arith.extui %lt3A_81 : i1 to i32
    %cond3A_83 = arith.constant 0 : i32
    %cond3A_84 = arith.cmpi ne, %convert_element_type3A_82, %cond3A_83 : i32
    scf.if %cond3A_84 {
      %add3A_167 = arith.constant 32 : i32
      %add3A_168 = arith.addi %select_n3A_30, %add3A_167 : i32
      %dma_start3A = arith.constant 0 : i32
      %dma_start3A_169 = tpu.memref_slice %arg3[%select_n3A, %add3A_168, %dma_start3A] : memref<4x68x8192xf32, #tpu.memory_space<hbm>> -> memref<1x1x8192xf32, #tpu.memory_space<hbm>>
      %dma_start3A_170 = tpu.memref_squeeze %dma_start3A_169 : memref<1x1x8192xf32, #tpu.memory_space<hbm>> -> memref<8192xf32, #tpu.memory_space<hbm>>
      %dma_start3A_171 = arith.constant 0 : i32
      %dma_start3A_172 = tpu.memref_slice %arg3[%select_n3A, %add3A_168, %dma_start3A_171] : memref<4x68x8192xf32, #tpu.memory_space<hbm>> -> memref<1x1x8192xf32, #tpu.memory_space<hbm>>
      %dma_start3A_173 = tpu.memref_squeeze %dma_start3A_172 : memref<1x1x8192xf32, #tpu.memory_space<hbm>> -> memref<8192xf32, #tpu.memory_space<hbm>>
      tpu.enqueue_dma source(%dma_start3A_173 : memref<8192xf32, #tpu.memory_space<hbm>>) target(%arg6 : memref<8192xf32, #tpu.memory_space<vmem>>) target_semaphore(%arg10 : memref<!tpu.dma_semaphore, #tpu.memory_space<semaphore_mem>>)
    } else {
    }
    %lt3A_85 = arith.constant 68 : i32
    %lt3A_86 = arith.cmpi slt, %add3A_77, %lt3A_85 : i32
    %convert_element_type3A_87 = arith.extui %lt3A_86 : i1 to i32
    %cond3A_88 = arith.constant 0 : i32
    %cond3A_89 = arith.cmpi ne, %convert_element_type3A_87, %cond3A_88 : i32
    scf.if %cond3A_89 {
      %add3A_167 = arith.constant 24 : i32
      %add3A_168 = arith.addi %select_n3A_30, %add3A_167 : i32
      %dma_wait3A = arith.constant 0 : i32
      %dma_wait3A_169 = tpu.memref_slice %arg3[%select_n3A, %add3A_168, %dma_wait3A] : memref<4x68x8192xf32, #tpu.memory_space<hbm>> -> memref<1x1x8192xf32, #tpu.memory_space<hbm>>
      %dma_wait3A_170 = tpu.memref_squeeze %dma_wait3A_169 : memref<1x1x8192xf32, #tpu.memory_space<hbm>> -> memref<8192xf32, #tpu.memory_space<hbm>>
      %dma_wait3A_171 = arith.constant 0 : i32
      %dma_wait3A_172 = tpu.memref_slice %arg3[%select_n3A, %add3A_168, %dma_wait3A_171] : memref<4x68x8192xf32, #tpu.memory_space<hbm>> -> memref<1x1x8192xf32, #tpu.memory_space<hbm>>
      %dma_wait3A_173 = tpu.memref_squeeze %dma_wait3A_172 : memref<1x1x8192xf32, #tpu.memory_space<hbm>> -> memref<8192xf32, #tpu.memory_space<hbm>>
      tpu.wait_dma2 semaphore(%arg11 : memref<!tpu.dma_semaphore, #tpu.memory_space<semaphore_mem>>) src(%dma_wait3A_173 : memref<8192xf32, #tpu.memory_space<hbm>>) dst(%arg7 : memref<8192xf32, #tpu.memory_space<vmem>>)
      %scan3A = arith.constant 0 : i32
      %scan3A_174 = arith.constant 0 : i32
      %scan3A_175 = arith.constant 64 : i32
      %scan3A_176 = arith.addi %scan3A_174, %scan3A_175 : i32
      %scan3A_177 = arith.constant 1 : i32
      scf.for %scan3A_194 = %scan3A_174 to %scan3A_176 step %scan3A_177  : i32 {
        %mul3A_195 = arith.constant 128 : i32
        %mul3A_196 = arith.muli %scan3A_194, %mul3A_195 : i32
        %add3A_197 = arith.constant 0 : i32
        %add3A_198 = arith.addi %mul3A_196, %add3A_197 : i32
        %get3A = arith.index_cast %add3A_198 : i32 to index
        %get3A_199 = tpu.vector_load %arg5[%get3A] {strides = array<i32>} : memref<8192xi32, #tpu.memory_space<vmem>>, vector<16xi32>,
        %gather3A = tpu.vector_load_idx %arg7[%get3A_199] : memref<8192xf32, #tpu.memory_space<vmem>>[vector<16xi32>], vector<16xf32>,
        %add3A_200 = arith.constant 0 : i32
        %add3A_201 = arith.addi %mul3A_196, %add3A_200 : i32
        %swap3A = arith.index_cast %add3A_201 : i32 to index
        %swap3A_202 = tpu.vector_load %arg9[%swap3A] {strides = array<i32>} : memref<8192xf32, #tpu.memory_space<vmem>>, vector<16xf32>,
        tpu.vector_store %arg9[%swap3A], %gather3A {strides = array<i32>} : memref<8192xf32, #tpu.memory_space<vmem>>, vector<16xf32>,
        %add3A_203 = arith.constant 16 : i32
        %add3A_204 = arith.addi %mul3A_196, %add3A_203 : i32
        %get3A_205 = arith.index_cast %add3A_204 : i32 to index
        %get3A_206 = tpu.vector_load %arg5[%get3A_205] {strides = array<i32>} : memref<8192xi32, #tpu.memory_space<vmem>>, vector<16xi32>,
        %gather3A_207 = tpu.vector_load_idx %arg7[%get3A_206] : memref<8192xf32, #tpu.memory_space<vmem>>[vector<16xi32>], vector<16xf32>,
        %add3A_208 = arith.constant 16 : i32
        %add3A_209 = arith.addi %mul3A_196, %add3A_208 : i32
        %swap3A_210 = arith.index_cast %add3A_209 : i32 to index
        %swap3A_211 = tpu.vector_load %arg9[%swap3A_210] {strides = array<i32>} : memref<8192xf32, #tpu.memory_space<vmem>>, vector<16xf32>,
        tpu.vector_store %arg9[%swap3A_210], %gather3A_207 {strides = array<i32>} : memref<8192xf32, #tpu.memory_space<vmem>>, vector<16xf32>,
        %add3A_212 = arith.constant 32 : i32
        %add3A_213 = arith.addi %mul3A_196, %add3A_212 : i32
        %get3A_214 = arith.index_cast %add3A_213 : i32 to index
        %get3A_215 = tpu.vector_load %arg5[%get3A_214] {strides = array<i32>} : memref<8192xi32, #tpu.memory_space<vmem>>, vector<16xi32>,
        %gather3A_216 = tpu.vector_load_idx %arg7[%get3A_215] : memref<8192xf32, #tpu.memory_space<vmem>>[vector<16xi32>], vector<16xf32>,
        %add3A_217 = arith.constant 32 : i32
        %add3A_218 = arith.addi %mul3A_196, %add3A_217 : i32
        %swap3A_219 = arith.index_cast %add3A_218 : i32 to index
        %swap3A_220 = tpu.vector_load %arg9[%swap3A_219] {strides = array<i32>} : memref<8192xf32, #tpu.memory_space<vmem>>, vector<16xf32>,
        tpu.vector_store %arg9[%swap3A_219], %gather3A_216 {strides = array<i32>} : memref<8192xf32, #tpu.memory_space<vmem>>, vector<16xf32>,
        %add3A_221 = arith.constant 48 : i32
        %add3A_222 = arith.addi %mul3A_196, %add3A_221 : i32
        %get3A_223 = arith.index_cast %add3A_222 : i32 to index
        %get3A_224 = tpu.vector_load %arg5[%get3A_223] {strides = array<i32>} : memref<8192xi32, #tpu.memory_space<vmem>>, vector<16xi32>,
        %gather3A_225 = tpu.vector_load_idx %arg7[%get3A_224] : memref<8192xf32, #tpu.memory_space<vmem>>[vector<16xi32>], vector<16xf32>,
        %add3A_226 = arith.constant 48 : i32
        %add3A_227 = arith.addi %mul3A_196, %add3A_226 : i32
        %swap3A_228 = arith.index_cast %add3A_227 : i32 to index
        %swap3A_229 = tpu.vector_load %arg9[%swap3A_228] {strides = array<i32>} : memref<8192xf32, #tpu.memory_space<vmem>>, vector<16xf32>,
        tpu.vector_store %arg9[%swap3A_228], %gather3A_225 {strides = array<i32>} : memref<8192xf32, #tpu.memory_space<vmem>>, vector<16xf32>,
        %add3A_230 = arith.constant 64 : i32
        %add3A_231 = arith.addi %mul3A_196, %add3A_230 : i32
        %get3A_232 = arith.index_cast %add3A_231 : i32 to index
        %get3A_233 = tpu.vector_load %arg5[%get3A_232] {strides = array<i32>} : memref<8192xi32, #tpu.memory_space<vmem>>, vector<16xi32>,
        %gather3A_234 = tpu.vector_load_idx %arg7[%get3A_233] : memref<8192xf32, #tpu.memory_space<vmem>>[vector<16xi32>], vector<16xf32>,
        %add3A_235 = arith.constant 64 : i32
        %add3A_236 = arith.addi %mul3A_196, %add3A_235 : i32
        %swap3A_237 = arith.index_cast %add3A_236 : i32 to index
        %swap3A_238 = tpu.vector_load %arg9[%swap3A_237] {strides = array<i32>} : memref<8192xf32, #tpu.memory_space<vmem>>, vector<16xf32>,
        tpu.vector_store %arg9[%swap3A_237], %gather3A_234 {strides = array<i32>} : memref<8192xf32, #tpu.memory_space<vmem>>, vector<16xf32>,
        %add3A_239 = arith.constant 80 : i32
        %add3A_240 = arith.addi %mul3A_196, %add3A_239 : i32
        %get3A_241 = arith.index_cast %add3A_240 : i32 to index
        %get3A_242 = tpu.vector_load %arg5[%get3A_241] {strides = array<i32>} : memref<8192xi32, #tpu.memory_space<vmem>>, vector<16xi32>,
        %gather3A_243 = tpu.vector_load_idx %arg7[%get3A_242] : memref<8192xf32, #tpu.memory_space<vmem>>[vector<16xi32>], vector<16xf32>,
        %add3A_244 = arith.constant 80 : i32
        %add3A_245 = arith.addi %mul3A_196, %add3A_244 : i32
        %swap3A_246 = arith.index_cast %add3A_245 : i32 to index
        %swap3A_247 = tpu.vector_load %arg9[%swap3A_246] {strides = array<i32>} : memref<8192xf32, #tpu.memory_space<vmem>>, vector<16xf32>,
        tpu.vector_store %arg9[%swap3A_246], %gather3A_243 {strides = array<i32>} : memref<8192xf32, #tpu.memory_space<vmem>>, vector<16xf32>,
        %add3A_248 = arith.constant 96 : i32
        %add3A_249 = arith.addi %mul3A_196, %add3A_248 : i32
        %get3A_250 = arith.index_cast %add3A_249 : i32 to index
        %get3A_251 = tpu.vector_load %arg5[%get3A_250] {strides = array<i32>} : memref<8192xi32, #tpu.memory_space<vmem>>, vector<16xi32>,
        %gather3A_252 = tpu.vector_load_idx %arg7[%get3A_251] : memref<8192xf32, #tpu.memory_space<vmem>>[vector<16xi32>], vector<16xf32>,
        %add3A_253 = arith.constant 96 : i32
        %add3A_254 = arith.addi %mul3A_196, %add3A_253 : i32
        %swap3A_255 = arith.index_cast %add3A_254 : i32 to index
        %swap3A_256 = tpu.vector_load %arg9[%swap3A_255] {strides = array<i32>} : memref<8192xf32, #tpu.memory_space<vmem>>, vector<16xf32>,
        tpu.vector_store %arg9[%swap3A_255], %gather3A_252 {strides = array<i32>} : memref<8192xf32, #tpu.memory_space<vmem>>, vector<16xf32>,
        %add3A_257 = arith.constant 112 : i32
        %add3A_258 = arith.addi %mul3A_196, %add3A_257 : i32
        %get3A_259 = arith.index_cast %add3A_258 : i32 to index
        %get3A_260 = tpu.vector_load %arg5[%get3A_259] {strides = array<i32>} : memref<8192xi32, #tpu.memory_space<vmem>>, vector<16xi32>,
        %gather3A_261 = tpu.vector_load_idx %arg7[%get3A_260] : memref<8192xf32, #tpu.memory_space<vmem>>[vector<16xi32>], vector<16xf32>,
        %add3A_262 = arith.constant 112 : i32
        %add3A_263 = arith.addi %mul3A_196, %add3A_262 : i32
        %swap3A_264 = arith.index_cast %add3A_263 : i32 to index
        %swap3A_265 = tpu.vector_load %arg9[%swap3A_264] {strides = array<i32>} : memref<8192xf32, #tpu.memory_space<vmem>>, vector<16xf32>,
        tpu.vector_store %arg9[%swap3A_264], %gather3A_261 {strides = array<i32>} : memref<8192xf32, #tpu.memory_space<vmem>>, vector<16xf32>,
      }
      %scan3A_178 = arith.constant 64 : i32
      %add3A_179 = arith.constant 8 : i32
      %add3A_180 = arith.addi %select_n3A_30, %add3A_179 : i32
      %dma_wait3A_181 = arith.constant 0 : i32
      %dma_wait3A_182 = tpu.memref_slice %arg4[%select_n3A, %add3A_180, %dma_wait3A_181] : memref<4x68x8192xf32, #tpu.memory_space<hbm>> -> memref<1x1x8192xf32, #tpu.memory_space<hbm>>
      %dma_wait3A_183 = tpu.memref_squeeze %dma_wait3A_182 : memref<1x1x8192xf32, #tpu.memory_space<hbm>> -> memref<8192xf32, #tpu.memory_space<hbm>>
      %dma_wait3A_184 = arith.constant 0 : i32
      %dma_wait3A_185 = tpu.memref_slice %arg4[%select_n3A, %add3A_180, %dma_wait3A_184] : memref<4x68x8192xf32, #tpu.memory_space<hbm>> -> memref<1x1x8192xf32, #tpu.memory_space<hbm>>
      %dma_wait3A_186 = tpu.memref_squeeze %dma_wait3A_185 : memref<1x1x8192xf32, #tpu.memory_space<hbm>> -> memref<8192xf32, #tpu.memory_space<hbm>>
      tpu.wait_dma2 semaphore(%arg13 : memref<!tpu.dma_semaphore, #tpu.memory_space<semaphore_mem>>) src(%arg9 : memref<8192xf32, #tpu.memory_space<vmem>>) dst(%dma_wait3A_186 : memref<8192xf32, #tpu.memory_space<hbm>>)
      %add3A_187 = arith.constant 24 : i32
      %add3A_188 = arith.addi %select_n3A_30, %add3A_187 : i32
      %dma_start3A = arith.constant 0 : i32
      %dma_start3A_189 = tpu.memref_slice %arg4[%select_n3A, %add3A_188, %dma_start3A] : memref<4x68x8192xf32, #tpu.memory_space<hbm>> -> memref<1x1x8192xf32, #tpu.memory_space<hbm>>
      %dma_start3A_190 = tpu.memref_squeeze %dma_start3A_189 : memref<1x1x8192xf32, #tpu.memory_space<hbm>> -> memref<8192xf32, #tpu.memory_space<hbm>>
      %dma_start3A_191 = arith.constant 0 : i32
      %dma_start3A_192 = tpu.memref_slice %arg4[%select_n3A, %add3A_188, %dma_start3A_191] : memref<4x68x8192xf32, #tpu.memory_space<hbm>> -> memref<1x1x8192xf32, #tpu.memory_space<hbm>>
      %dma_start3A_193 = tpu.memref_squeeze %dma_start3A_192 : memref<1x1x8192xf32, #tpu.memory_space<hbm>> -> memref<8192xf32, #tpu.memory_space<hbm>>
      tpu.enqueue_dma source(%arg9 : memref<8192xf32, #tpu.memory_space<vmem>>) target(%dma_start3A_193 : memref<8192xf32, #tpu.memory_space<hbm>>) target_semaphore(%arg13 : memref<!tpu.dma_semaphore, #tpu.memory_space<semaphore_mem>>)
    } else {
    }
    %add3A_90 = arith.constant 32 : i32
    %add3A_91 = arith.addi %select_n3A_30, %add3A_90 : i32
    %add3A_92 = arith.constant 8 : i32
    %add3A_93 = arith.addi %add3A_91, %add3A_92 : i32
    %lt3A_94 = arith.constant 68 : i32
    %lt3A_95 = arith.cmpi slt, %add3A_93, %lt3A_94 : i32
    %convert_element_type3A_96 = arith.extui %lt3A_95 : i1 to i32
    %cond3A_97 = arith.constant 0 : i32
    %cond3A_98 = arith.cmpi ne, %convert_element_type3A_96, %cond3A_97 : i32
    scf.if %cond3A_98 {
      %add3A_167 = arith.constant 40 : i32
      %add3A_168 = arith.addi %select_n3A_30, %add3A_167 : i32
      %dma_start3A = arith.constant 0 : i32
      %dma_start3A_169 = tpu.memref_slice %arg3[%select_n3A, %add3A_168, %dma_start3A] : memref<4x68x8192xf32, #tpu.memory_space<hbm>> -> memref<1x1x8192xf32, #tpu.memory_space<hbm>>
      %dma_start3A_170 = tpu.memref_squeeze %dma_start3A_169 : memref<1x1x8192xf32, #tpu.memory_space<hbm>> -> memref<8192xf32, #tpu.memory_space<hbm>>
      %dma_start3A_171 = arith.constant 0 : i32
      %dma_start3A_172 = tpu.memref_slice %arg3[%select_n3A, %add3A_168, %dma_start3A_171] : memref<4x68x8192xf32, #tpu.memory_space<hbm>> -> memref<1x1x8192xf32, #tpu.memory_space<hbm>>
      %dma_start3A_173 = tpu.memref_squeeze %dma_start3A_172 : memref<1x1x8192xf32, #tpu.memory_space<hbm>> -> memref<8192xf32, #tpu.memory_space<hbm>>
      tpu.enqueue_dma source(%dma_start3A_173 : memref<8192xf32, #tpu.memory_space<hbm>>) target(%arg7 : memref<8192xf32, #tpu.memory_space<vmem>>) target_semaphore(%arg11 : memref<!tpu.dma_semaphore, #tpu.memory_space<semaphore_mem>>)
    } else {
    }
    %lt3A_99 = arith.constant 68 : i32
    %lt3A_100 = arith.cmpi slt, %add3A_91, %lt3A_99 : i32
    %convert_element_type3A_101 = arith.extui %lt3A_100 : i1 to i32
    %cond3A_102 = arith.constant 0 : i32
    %cond3A_103 = arith.cmpi ne, %convert_element_type3A_101, %cond3A_102 : i32
    scf.if %cond3A_103 {
      %add3A_167 = arith.constant 32 : i32
      %add3A_168 = arith.addi %select_n3A_30, %add3A_167 : i32
      %dma_wait3A = arith.constant 0 : i32
      %dma_wait3A_169 = tpu.memref_slice %arg3[%select_n3A, %add3A_168, %dma_wait3A] : memref<4x68x8192xf32, #tpu.memory_space<hbm>> -> memref<1x1x8192xf32, #tpu.memory_space<hbm>>
      %dma_wait3A_170 = tpu.memref_squeeze %dma_wait3A_169 : memref<1x1x8192xf32, #tpu.memory_space<hbm>> -> memref<8192xf32, #tpu.memory_space<hbm>>
      %dma_wait3A_171 = arith.constant 0 : i32
      %dma_wait3A_172 = tpu.memref_slice %arg3[%select_n3A, %add3A_168, %dma_wait3A_171] : memref<4x68x8192xf32, #tpu.memory_space<hbm>> -> memref<1x1x8192xf32, #tpu.memory_space<hbm>>
      %dma_wait3A_173 = tpu.memref_squeeze %dma_wait3A_172 : memref<1x1x8192xf32, #tpu.memory_space<hbm>> -> memref<8192xf32, #tpu.memory_space<hbm>>
      tpu.wait_dma2 semaphore(%arg10 : memref<!tpu.dma_semaphore, #tpu.memory_space<semaphore_mem>>) src(%dma_wait3A_173 : memref<8192xf32, #tpu.memory_space<hbm>>) dst(%arg6 : memref<8192xf32, #tpu.memory_space<vmem>>)
      %scan3A = arith.constant 0 : i32
      %scan3A_174 = arith.constant 0 : i32
      %scan3A_175 = arith.constant 64 : i32
      %scan3A_176 = arith.addi %scan3A_174, %scan3A_175 : i32
      %scan3A_177 = arith.constant 1 : i32
      scf.for %scan3A_194 = %scan3A_174 to %scan3A_176 step %scan3A_177  : i32 {
        %mul3A_195 = arith.constant 128 : i32
        %mul3A_196 = arith.muli %scan3A_194, %mul3A_195 : i32
        %add3A_197 = arith.constant 0 : i32
        %add3A_198 = arith.addi %mul3A_196, %add3A_197 : i32
        %get3A = arith.index_cast %add3A_198 : i32 to index
        %get3A_199 = tpu.vector_load %arg5[%get3A] {strides = array<i32>} : memref<8192xi32, #tpu.memory_space<vmem>>, vector<16xi32>,
        %gather3A = tpu.vector_load_idx %arg6[%get3A_199] : memref<8192xf32, #tpu.memory_space<vmem>>[vector<16xi32>], vector<16xf32>,
        %add3A_200 = arith.constant 0 : i32
        %add3A_201 = arith.addi %mul3A_196, %add3A_200 : i32
        %swap3A = arith.index_cast %add3A_201 : i32 to index
        %swap3A_202 = tpu.vector_load %arg8[%swap3A] {strides = array<i32>} : memref<8192xf32, #tpu.memory_space<vmem>>, vector<16xf32>,
        tpu.vector_store %arg8[%swap3A], %gather3A {strides = array<i32>} : memref<8192xf32, #tpu.memory_space<vmem>>, vector<16xf32>,
        %add3A_203 = arith.constant 16 : i32
        %add3A_204 = arith.addi %mul3A_196, %add3A_203 : i32
        %get3A_205 = arith.index_cast %add3A_204 : i32 to index
        %get3A_206 = tpu.vector_load %arg5[%get3A_205] {strides = array<i32>} : memref<8192xi32, #tpu.memory_space<vmem>>, vector<16xi32>,
        %gather3A_207 = tpu.vector_load_idx %arg6[%get3A_206] : memref<8192xf32, #tpu.memory_space<vmem>>[vector<16xi32>], vector<16xf32>,
        %add3A_208 = arith.constant 16 : i32
        %add3A_209 = arith.addi %mul3A_196, %add3A_208 : i32
        %swap3A_210 = arith.index_cast %add3A_209 : i32 to index
        %swap3A_211 = tpu.vector_load %arg8[%swap3A_210] {strides = array<i32>} : memref<8192xf32, #tpu.memory_space<vmem>>, vector<16xf32>,
        tpu.vector_store %arg8[%swap3A_210], %gather3A_207 {strides = array<i32>} : memref<8192xf32, #tpu.memory_space<vmem>>, vector<16xf32>,
        %add3A_212 = arith.constant 32 : i32
        %add3A_213 = arith.addi %mul3A_196, %add3A_212 : i32
        %get3A_214 = arith.index_cast %add3A_213 : i32 to index
        %get3A_215 = tpu.vector_load %arg5[%get3A_214] {strides = array<i32>} : memref<8192xi32, #tpu.memory_space<vmem>>, vector<16xi32>,
        %gather3A_216 = tpu.vector_load_idx %arg6[%get3A_215] : memref<8192xf32, #tpu.memory_space<vmem>>[vector<16xi32>], vector<16xf32>,
        %add3A_217 = arith.constant 32 : i32
        %add3A_218 = arith.addi %mul3A_196, %add3A_217 : i32
        %swap3A_219 = arith.index_cast %add3A_218 : i32 to index
        %swap3A_220 = tpu.vector_load %arg8[%swap3A_219] {strides = array<i32>} : memref<8192xf32, #tpu.memory_space<vmem>>, vector<16xf32>,
        tpu.vector_store %arg8[%swap3A_219], %gather3A_216 {strides = array<i32>} : memref<8192xf32, #tpu.memory_space<vmem>>, vector<16xf32>,
        %add3A_221 = arith.constant 48 : i32
        %add3A_222 = arith.addi %mul3A_196, %add3A_221 : i32
        %get3A_223 = arith.index_cast %add3A_222 : i32 to index
        %get3A_224 = tpu.vector_load %arg5[%get3A_223] {strides = array<i32>} : memref<8192xi32, #tpu.memory_space<vmem>>, vector<16xi32>,
        %gather3A_225 = tpu.vector_load_idx %arg6[%get3A_224] : memref<8192xf32, #tpu.memory_space<vmem>>[vector<16xi32>], vector<16xf32>,
        %add3A_226 = arith.constant 48 : i32
        %add3A_227 = arith.addi %mul3A_196, %add3A_226 : i32
        %swap3A_228 = arith.index_cast %add3A_227 : i32 to index
        %swap3A_229 = tpu.vector_load %arg8[%swap3A_228] {strides = array<i32>} : memref<8192xf32, #tpu.memory_space<vmem>>, vector<16xf32>,
        tpu.vector_store %arg8[%swap3A_228], %gather3A_225 {strides = array<i32>} : memref<8192xf32, #tpu.memory_space<vmem>>, vector<16xf32>,
        %add3A_230 = arith.constant 64 : i32
        %add3A_231 = arith.addi %mul3A_196, %add3A_230 : i32
        %get3A_232 = arith.index_cast %add3A_231 : i32 to index
        %get3A_233 = tpu.vector_load %arg5[%get3A_232] {strides = array<i32>} : memref<8192xi32, #tpu.memory_space<vmem>>, vector<16xi32>,
        %gather3A_234 = tpu.vector_load_idx %arg6[%get3A_233] : memref<8192xf32, #tpu.memory_space<vmem>>[vector<16xi32>], vector<16xf32>,
        %add3A_235 = arith.constant 64 : i32
        %add3A_236 = arith.addi %mul3A_196, %add3A_235 : i32
        %swap3A_237 = arith.index_cast %add3A_236 : i32 to index
        %swap3A_238 = tpu.vector_load %arg8[%swap3A_237] {strides = array<i32>} : memref<8192xf32, #tpu.memory_space<vmem>>, vector<16xf32>,
        tpu.vector_store %arg8[%swap3A_237], %gather3A_234 {strides = array<i32>} : memref<8192xf32, #tpu.memory_space<vmem>>, vector<16xf32>,
        %add3A_239 = arith.constant 80 : i32
        %add3A_240 = arith.addi %mul3A_196, %add3A_239 : i32
        %get3A_241 = arith.index_cast %add3A_240 : i32 to index
        %get3A_242 = tpu.vector_load %arg5[%get3A_241] {strides = array<i32>} : memref<8192xi32, #tpu.memory_space<vmem>>, vector<16xi32>,
        %gather3A_243 = tpu.vector_load_idx %arg6[%get3A_242] : memref<8192xf32, #tpu.memory_space<vmem>>[vector<16xi32>], vector<16xf32>,
        %add3A_244 = arith.constant 80 : i32
        %add3A_245 = arith.addi %mul3A_196, %add3A_244 : i32
        %swap3A_246 = arith.index_cast %add3A_245 : i32 to index
        %swap3A_247 = tpu.vector_load %arg8[%swap3A_246] {strides = array<i32>} : memref<8192xf32, #tpu.memory_space<vmem>>, vector<16xf32>,
        tpu.vector_store %arg8[%swap3A_246], %gather3A_243 {strides = array<i32>} : memref<8192xf32, #tpu.memory_space<vmem>>, vector<16xf32>,
        %add3A_248 = arith.constant 96 : i32
        %add3A_249 = arith.addi %mul3A_196, %add3A_248 : i32
        %get3A_250 = arith.index_cast %add3A_249 : i32 to index
        %get3A_251 = tpu.vector_load %arg5[%get3A_250] {strides = array<i32>} : memref<8192xi32, #tpu.memory_space<vmem>>, vector<16xi32>,
        %gather3A_252 = tpu.vector_load_idx %arg6[%get3A_251] : memref<8192xf32, #tpu.memory_space<vmem>>[vector<16xi32>], vector<16xf32>,
        %add3A_253 = arith.constant 96 : i32
        %add3A_254 = arith.addi %mul3A_196, %add3A_253 : i32
        %swap3A_255 = arith.index_cast %add3A_254 : i32 to index
        %swap3A_256 = tpu.vector_load %arg8[%swap3A_255] {strides = array<i32>} : memref<8192xf32, #tpu.memory_space<vmem>>, vector<16xf32>,
        tpu.vector_store %arg8[%swap3A_255], %gather3A_252 {strides = array<i32>} : memref<8192xf32, #tpu.memory_space<vmem>>, vector<16xf32>,
        %add3A_257 = arith.constant 112 : i32
        %add3A_258 = arith.addi %mul3A_196, %add3A_257 : i32
        %get3A_259 = arith.index_cast %add3A_258 : i32 to index
        %get3A_260 = tpu.vector_load %arg5[%get3A_259] {strides = array<i32>} : memref<8192xi32, #tpu.memory_space<vmem>>, vector<16xi32>,
        %gather3A_261 = tpu.vector_load_idx %arg6[%get3A_260] : memref<8192xf32, #tpu.memory_space<vmem>>[vector<16xi32>], vector<16xf32>,
        %add3A_262 = arith.constant 112 : i32
        %add3A_263 = arith.addi %mul3A_196, %add3A_262 : i32
        %swap3A_264 = arith.index_cast %add3A_263 : i32 to index
        %swap3A_265 = tpu.vector_load %arg8[%swap3A_264] {strides = array<i32>} : memref<8192xf32, #tpu.memory_space<vmem>>, vector<16xf32>,
        tpu.vector_store %arg8[%swap3A_264], %gather3A_261 {strides = array<i32>} : memref<8192xf32, #tpu.memory_space<vmem>>, vector<16xf32>,
      }
      %scan3A_178 = arith.constant 64 : i32
      %add3A_179 = arith.constant 16 : i32
      %add3A_180 = arith.addi %select_n3A_30, %add3A_179 : i32
      %dma_wait3A_181 = arith.constant 0 : i32
      %dma_wait3A_182 = tpu.memref_slice %arg4[%select_n3A, %add3A_180, %dma_wait3A_181] : memref<4x68x8192xf32, #tpu.memory_space<hbm>> -> memref<1x1x8192xf32, #tpu.memory_space<hbm>>
      %dma_wait3A_183 = tpu.memref_squeeze %dma_wait3A_182 : memref<1x1x8192xf32, #tpu.memory_space<hbm>> -> memref<8192xf32, #tpu.memory_space<hbm>>
      %dma_wait3A_184 = arith.constant 0 : i32
      %dma_wait3A_185 = tpu.memref_slice %arg4[%select_n3A, %add3A_180, %dma_wait3A_184] : memref<4x68x8192xf32, #tpu.memory_space<hbm>> -> memref<1x1x8192xf32, #tpu.memory_space<hbm>>
      %dma_wait3A_186 = tpu.memref_squeeze %dma_wait3A_185 : memref<1x1x8192xf32, #tpu.memory_space<hbm>> -> memref<8192xf32, #tpu.memory_space<hbm>>
      tpu.wait_dma2 semaphore(%arg12 : memref<!tpu.dma_semaphore, #tpu.memory_space<semaphore_mem>>) src(%arg8 : memref<8192xf32, #tpu.memory_space<vmem>>) dst(%dma_wait3A_186 : memref<8192xf32, #tpu.memory_space<hbm>>)
      %add3A_187 = arith.constant 32 : i32
      %add3A_188 = arith.addi %select_n3A_30, %add3A_187 : i32
      %dma_start3A = arith.constant 0 : i32
      %dma_start3A_189 = tpu.memref_slice %arg4[%select_n3A, %add3A_188, %dma_start3A] : memref<4x68x8192xf32, #tpu.memory_space<hbm>> -> memref<1x1x8192xf32, #tpu.memory_space<hbm>>
      %dma_start3A_190 = tpu.memref_squeeze %dma_start3A_189 : memref<1x1x8192xf32, #tpu.memory_space<hbm>> -> memref<8192xf32, #tpu.memory_space<hbm>>
      %dma_start3A_191 = arith.constant 0 : i32
      %dma_start3A_192 = tpu.memref_slice %arg4[%select_n3A, %add3A_188, %dma_start3A_191] : memref<4x68x8192xf32, #tpu.memory_space<hbm>> -> memref<1x1x8192xf32, #tpu.memory_space<hbm>>
      %dma_start3A_193 = tpu.memref_squeeze %dma_start3A_192 : memref<1x1x8192xf32, #tpu.memory_space<hbm>> -> memref<8192xf32, #tpu.memory_space<hbm>>
      tpu.enqueue_dma source(%arg8 : memref<8192xf32, #tpu.memory_space<vmem>>) target(%dma_start3A_193 : memref<8192xf32, #tpu.memory_space<hbm>>) target_semaphore(%arg12 : memref<!tpu.dma_semaphore, #tpu.memory_space<semaphore_mem>>)
    } else {
    }
    %add3A_104 = arith.constant 40 : i32
    %add3A_105 = arith.addi %select_n3A_30, %add3A_104 : i32
    %add3A_106 = arith.constant 8 : i32
    %add3A_107 = arith.addi %add3A_105, %add3A_106 : i32
    %lt3A_108 = arith.constant 68 : i32
    %lt3A_109 = arith.cmpi slt, %add3A_107, %lt3A_108 : i32
    %convert_element_type3A_110 = arith.extui %lt3A_109 : i1 to i32
    %cond3A_111 = arith.constant 0 : i32
    %cond3A_112 = arith.cmpi ne, %convert_element_type3A_110, %cond3A_111 : i32
    scf.if %cond3A_112 {
      %add3A_167 = arith.constant 48 : i32
      %add3A_168 = arith.addi %select_n3A_30, %add3A_167 : i32
      %dma_start3A = arith.constant 0 : i32
      %dma_start3A_169 = tpu.memref_slice %arg3[%select_n3A, %add3A_168, %dma_start3A] : memref<4x68x8192xf32, #tpu.memory_space<hbm>> -> memref<1x1x8192xf32, #tpu.memory_space<hbm>>
      %dma_start3A_170 = tpu.memref_squeeze %dma_start3A_169 : memref<1x1x8192xf32, #tpu.memory_space<hbm>> -> memref<8192xf32, #tpu.memory_space<hbm>>
      %dma_start3A_171 = arith.constant 0 : i32
      %dma_start3A_172 = tpu.memref_slice %arg3[%select_n3A, %add3A_168, %dma_start3A_171] : memref<4x68x8192xf32, #tpu.memory_space<hbm>> -> memref<1x1x8192xf32, #tpu.memory_space<hbm>>
      %dma_start3A_173 = tpu.memref_squeeze %dma_start3A_172 : memref<1x1x8192xf32, #tpu.memory_space<hbm>> -> memref<8192xf32, #tpu.memory_space<hbm>>
      tpu.enqueue_dma source(%dma_start3A_173 : memref<8192xf32, #tpu.memory_space<hbm>>) target(%arg6 : memref<8192xf32, #tpu.memory_space<vmem>>) target_semaphore(%arg10 : memref<!tpu.dma_semaphore, #tpu.memory_space<semaphore_mem>>)
    } else {
    }
    %lt3A_113 = arith.constant 68 : i32
    %lt3A_114 = arith.cmpi slt, %add3A_105, %lt3A_113 : i32
    %convert_element_type3A_115 = arith.extui %lt3A_114 : i1 to i32
    %cond3A_116 = arith.constant 0 : i32
    %cond3A_117 = arith.cmpi ne, %convert_element_type3A_115, %cond3A_116 : i32
    scf.if %cond3A_117 {
      %add3A_167 = arith.constant 40 : i32
      %add3A_168 = arith.addi %select_n3A_30, %add3A_167 : i32
      %dma_wait3A = arith.constant 0 : i32
      %dma_wait3A_169 = tpu.memref_slice %arg3[%select_n3A, %add3A_168, %dma_wait3A] : memref<4x68x8192xf32, #tpu.memory_space<hbm>> -> memref<1x1x8192xf32, #tpu.memory_space<hbm>>
      %dma_wait3A_170 = tpu.memref_squeeze %dma_wait3A_169 : memref<1x1x8192xf32, #tpu.memory_space<hbm>> -> memref<8192xf32, #tpu.memory_space<hbm>>
      %dma_wait3A_171 = arith.constant 0 : i32
      %dma_wait3A_172 = tpu.memref_slice %arg3[%select_n3A, %add3A_168, %dma_wait3A_171] : memref<4x68x8192xf32, #tpu.memory_space<hbm>> -> memref<1x1x8192xf32, #tpu.memory_space<hbm>>
      %dma_wait3A_173 = tpu.memref_squeeze %dma_wait3A_172 : memref<1x1x8192xf32, #tpu.memory_space<hbm>> -> memref<8192xf32, #tpu.memory_space<hbm>>
      tpu.wait_dma2 semaphore(%arg11 : memref<!tpu.dma_semaphore, #tpu.memory_space<semaphore_mem>>) src(%dma_wait3A_173 : memref<8192xf32, #tpu.memory_space<hbm>>) dst(%arg7 : memref<8192xf32, #tpu.memory_space<vmem>>)
      %scan3A = arith.constant 0 : i32
      %scan3A_174 = arith.constant 0 : i32
      %scan3A_175 = arith.constant 64 : i32
      %scan3A_176 = arith.addi %scan3A_174, %scan3A_175 : i32
      %scan3A_177 = arith.constant 1 : i32
      scf.for %scan3A_194 = %scan3A_174 to %scan3A_176 step %scan3A_177  : i32 {
        %mul3A_195 = arith.constant 128 : i32
        %mul3A_196 = arith.muli %scan3A_194, %mul3A_195 : i32
        %add3A_197 = arith.constant 0 : i32
        %add3A_198 = arith.addi %mul3A_196, %add3A_197 : i32
        %get3A = arith.index_cast %add3A_198 : i32 to index
        %get3A_199 = tpu.vector_load %arg5[%get3A] {strides = array<i32>} : memref<8192xi32, #tpu.memory_space<vmem>>, vector<16xi32>,
        %gather3A = tpu.vector_load_idx %arg7[%get3A_199] : memref<8192xf32, #tpu.memory_space<vmem>>[vector<16xi32>], vector<16xf32>,
        %add3A_200 = arith.constant 0 : i32
        %add3A_201 = arith.addi %mul3A_196, %add3A_200 : i32
        %swap3A = arith.index_cast %add3A_201 : i32 to index
        %swap3A_202 = tpu.vector_load %arg9[%swap3A] {strides = array<i32>} : memref<8192xf32, #tpu.memory_space<vmem>>, vector<16xf32>,
        tpu.vector_store %arg9[%swap3A], %gather3A {strides = array<i32>} : memref<8192xf32, #tpu.memory_space<vmem>>, vector<16xf32>,
        %add3A_203 = arith.constant 16 : i32
        %add3A_204 = arith.addi %mul3A_196, %add3A_203 : i32
        %get3A_205 = arith.index_cast %add3A_204 : i32 to index
        %get3A_206 = tpu.vector_load %arg5[%get3A_205] {strides = array<i32>} : memref<8192xi32, #tpu.memory_space<vmem>>, vector<16xi32>,
        %gather3A_207 = tpu.vector_load_idx %arg7[%get3A_206] : memref<8192xf32, #tpu.memory_space<vmem>>[vector<16xi32>], vector<16xf32>,
        %add3A_208 = arith.constant 16 : i32
        %add3A_209 = arith.addi %mul3A_196, %add3A_208 : i32
        %swap3A_210 = arith.index_cast %add3A_209 : i32 to index
        %swap3A_211 = tpu.vector_load %arg9[%swap3A_210] {strides = array<i32>} : memref<8192xf32, #tpu.memory_space<vmem>>, vector<16xf32>,
        tpu.vector_store %arg9[%swap3A_210], %gather3A_207 {strides = array<i32>} : memref<8192xf32, #tpu.memory_space<vmem>>, vector<16xf32>,
        %add3A_212 = arith.constant 32 : i32
        %add3A_213 = arith.addi %mul3A_196, %add3A_212 : i32
        %get3A_214 = arith.index_cast %add3A_213 : i32 to index
        %get3A_215 = tpu.vector_load %arg5[%get3A_214] {strides = array<i32>} : memref<8192xi32, #tpu.memory_space<vmem>>, vector<16xi32>,
        %gather3A_216 = tpu.vector_load_idx %arg7[%get3A_215] : memref<8192xf32, #tpu.memory_space<vmem>>[vector<16xi32>], vector<16xf32>,
        %add3A_217 = arith.constant 32 : i32
        %add3A_218 = arith.addi %mul3A_196, %add3A_217 : i32
        %swap3A_219 = arith.index_cast %add3A_218 : i32 to index
        %swap3A_220 = tpu.vector_load %arg9[%swap3A_219] {strides = array<i32>} : memref<8192xf32, #tpu.memory_space<vmem>>, vector<16xf32>,
        tpu.vector_store %arg9[%swap3A_219], %gather3A_216 {strides = array<i32>} : memref<8192xf32, #tpu.memory_space<vmem>>, vector<16xf32>,
        %add3A_221 = arith.constant 48 : i32
        %add3A_222 = arith.addi %mul3A_196, %add3A_221 : i32
        %get3A_223 = arith.index_cast %add3A_222 : i32 to index
        %get3A_224 = tpu.vector_load %arg5[%get3A_223] {strides = array<i32>} : memref<8192xi32, #tpu.memory_space<vmem>>, vector<16xi32>,
        %gather3A_225 = tpu.vector_load_idx %arg7[%get3A_224] : memref<8192xf32, #tpu.memory_space<vmem>>[vector<16xi32>], vector<16xf32>,
        %add3A_226 = arith.constant 48 : i32
        %add3A_227 = arith.addi %mul3A_196, %add3A_226 : i32
        %swap3A_228 = arith.index_cast %add3A_227 : i32 to index
        %swap3A_229 = tpu.vector_load %arg9[%swap3A_228] {strides = array<i32>} : memref<8192xf32, #tpu.memory_space<vmem>>, vector<16xf32>,
        tpu.vector_store %arg9[%swap3A_228], %gather3A_225 {strides = array<i32>} : memref<8192xf32, #tpu.memory_space<vmem>>, vector<16xf32>,
        %add3A_230 = arith.constant 64 : i32
        %add3A_231 = arith.addi %mul3A_196, %add3A_230 : i32
        %get3A_232 = arith.index_cast %add3A_231 : i32 to index
        %get3A_233 = tpu.vector_load %arg5[%get3A_232] {strides = array<i32>} : memref<8192xi32, #tpu.memory_space<vmem>>, vector<16xi32>,
        %gather3A_234 = tpu.vector_load_idx %arg7[%get3A_233] : memref<8192xf32, #tpu.memory_space<vmem>>[vector<16xi32>], vector<16xf32>,
        %add3A_235 = arith.constant 64 : i32
        %add3A_236 = arith.addi %mul3A_196, %add3A_235 : i32
        %swap3A_237 = arith.index_cast %add3A_236 : i32 to index
        %swap3A_238 = tpu.vector_load %arg9[%swap3A_237] {strides = array<i32>} : memref<8192xf32, #tpu.memory_space<vmem>>, vector<16xf32>,
        tpu.vector_store %arg9[%swap3A_237], %gather3A_234 {strides = array<i32>} : memref<8192xf32, #tpu.memory_space<vmem>>, vector<16xf32>,
        %add3A_239 = arith.constant 80 : i32
        %add3A_240 = arith.addi %mul3A_196, %add3A_239 : i32
        %get3A_241 = arith.index_cast %add3A_240 : i32 to index
        %get3A_242 = tpu.vector_load %arg5[%get3A_241] {strides = array<i32>} : memref<8192xi32, #tpu.memory_space<vmem>>, vector<16xi32>,
        %gather3A_243 = tpu.vector_load_idx %arg7[%get3A_242] : memref<8192xf32, #tpu.memory_space<vmem>>[vector<16xi32>], vector<16xf32>,
        %add3A_244 = arith.constant 80 : i32
        %add3A_245 = arith.addi %mul3A_196, %add3A_244 : i32
        %swap3A_246 = arith.index_cast %add3A_245 : i32 to index
        %swap3A_247 = tpu.vector_load %arg9[%swap3A_246] {strides = array<i32>} : memref<8192xf32, #tpu.memory_space<vmem>>, vector<16xf32>,
        tpu.vector_store %arg9[%swap3A_246], %gather3A_243 {strides = array<i32>} : memref<8192xf32, #tpu.memory_space<vmem>>, vector<16xf32>,
        %add3A_248 = arith.constant 96 : i32
        %add3A_249 = arith.addi %mul3A_196, %add3A_248 : i32
        %get3A_250 = arith.index_cast %add3A_249 : i32 to index
        %get3A_251 = tpu.vector_load %arg5[%get3A_250] {strides = array<i32>} : memref<8192xi32, #tpu.memory_space<vmem>>, vector<16xi32>,
        %gather3A_252 = tpu.vector_load_idx %arg7[%get3A_251] : memref<8192xf32, #tpu.memory_space<vmem>>[vector<16xi32>], vector<16xf32>,
        %add3A_253 = arith.constant 96 : i32
        %add3A_254 = arith.addi %mul3A_196, %add3A_253 : i32
        %swap3A_255 = arith.index_cast %add3A_254 : i32 to index
        %swap3A_256 = tpu.vector_load %arg9[%swap3A_255] {strides = array<i32>} : memref<8192xf32, #tpu.memory_space<vmem>>, vector<16xf32>,
        tpu.vector_store %arg9[%swap3A_255], %gather3A_252 {strides = array<i32>} : memref<8192xf32, #tpu.memory_space<vmem>>, vector<16xf32>,
        %add3A_257 = arith.constant 112 : i32
        %add3A_258 = arith.addi %mul3A_196, %add3A_257 : i32
        %get3A_259 = arith.index_cast %add3A_258 : i32 to index
        %get3A_260 = tpu.vector_load %arg5[%get3A_259] {strides = array<i32>} : memref<8192xi32, #tpu.memory_space<vmem>>, vector<16xi32>,
        %gather3A_261 = tpu.vector_load_idx %arg7[%get3A_260] : memref<8192xf32, #tpu.memory_space<vmem>>[vector<16xi32>], vector<16xf32>,
        %add3A_262 = arith.constant 112 : i32
        %add3A_263 = arith.addi %mul3A_196, %add3A_262 : i32
        %swap3A_264 = arith.index_cast %add3A_263 : i32 to index
        %swap3A_265 = tpu.vector_load %arg9[%swap3A_264] {strides = array<i32>} : memref<8192xf32, #tpu.memory_space<vmem>>, vector<16xf32>,
        tpu.vector_store %arg9[%swap3A_264], %gather3A_261 {strides = array<i32>} : memref<8192xf32, #tpu.memory_space<vmem>>, vector<16xf32>,
      }
      %scan3A_178 = arith.constant 64 : i32
      %add3A_179 = arith.constant 24 : i32
      %add3A_180 = arith.addi %select_n3A_30, %add3A_179 : i32
      %dma_wait3A_181 = arith.constant 0 : i32
      %dma_wait3A_182 = tpu.memref_slice %arg4[%select_n3A, %add3A_180, %dma_wait3A_181] : memref<4x68x8192xf32, #tpu.memory_space<hbm>> -> memref<1x1x8192xf32, #tpu.memory_space<hbm>>
      %dma_wait3A_183 = tpu.memref_squeeze %dma_wait3A_182 : memref<1x1x8192xf32, #tpu.memory_space<hbm>> -> memref<8192xf32, #tpu.memory_space<hbm>>
      %dma_wait3A_184 = arith.constant 0 : i32
      %dma_wait3A_185 = tpu.memref_slice %arg4[%select_n3A, %add3A_180, %dma_wait3A_184] : memref<4x68x8192xf32, #tpu.memory_space<hbm>> -> memref<1x1x8192xf32, #tpu.memory_space<hbm>>
      %dma_wait3A_186 = tpu.memref_squeeze %dma_wait3A_185 : memref<1x1x8192xf32, #tpu.memory_space<hbm>> -> memref<8192xf32, #tpu.memory_space<hbm>>
      tpu.wait_dma2 semaphore(%arg13 : memref<!tpu.dma_semaphore, #tpu.memory_space<semaphore_mem>>) src(%arg9 : memref<8192xf32, #tpu.memory_space<vmem>>) dst(%dma_wait3A_186 : memref<8192xf32, #tpu.memory_space<hbm>>)
      %add3A_187 = arith.constant 40 : i32
      %add3A_188 = arith.addi %select_n3A_30, %add3A_187 : i32
      %dma_start3A = arith.constant 0 : i32
      %dma_start3A_189 = tpu.memref_slice %arg4[%select_n3A, %add3A_188, %dma_start3A] : memref<4x68x8192xf32, #tpu.memory_space<hbm>> -> memref<1x1x8192xf32, #tpu.memory_space<hbm>>
      %dma_start3A_190 = tpu.memref_squeeze %dma_start3A_189 : memref<1x1x8192xf32, #tpu.memory_space<hbm>> -> memref<8192xf32, #tpu.memory_space<hbm>>
      %dma_start3A_191 = arith.constant 0 : i32
      %dma_start3A_192 = tpu.memref_slice %arg4[%select_n3A, %add3A_188, %dma_start3A_191] : memref<4x68x8192xf32, #tpu.memory_space<hbm>> -> memref<1x1x8192xf32, #tpu.memory_space<hbm>>
      %dma_start3A_193 = tpu.memref_squeeze %dma_start3A_192 : memref<1x1x8192xf32, #tpu.memory_space<hbm>> -> memref<8192xf32, #tpu.memory_space<hbm>>
      tpu.enqueue_dma source(%arg9 : memref<8192xf32, #tpu.memory_space<vmem>>) target(%dma_start3A_193 : memref<8192xf32, #tpu.memory_space<hbm>>) target_semaphore(%arg13 : memref<!tpu.dma_semaphore, #tpu.memory_space<semaphore_mem>>)
    } else {
    }
    %add3A_118 = arith.constant 48 : i32
    %add3A_119 = arith.addi %select_n3A_30, %add3A_118 : i32
    %add3A_120 = arith.constant 8 : i32
    %add3A_121 = arith.addi %add3A_119, %add3A_120 : i32
    %lt3A_122 = arith.constant 68 : i32
    %lt3A_123 = arith.cmpi slt, %add3A_121, %lt3A_122 : i32
    %convert_element_type3A_124 = arith.extui %lt3A_123 : i1 to i32
    %cond3A_125 = arith.constant 0 : i32
    %cond3A_126 = arith.cmpi ne, %convert_element_type3A_124, %cond3A_125 : i32
    scf.if %cond3A_126 {
      %add3A_167 = arith.constant 56 : i32
      %add3A_168 = arith.addi %select_n3A_30, %add3A_167 : i32
      %dma_start3A = arith.constant 0 : i32
      %dma_start3A_169 = tpu.memref_slice %arg3[%select_n3A, %add3A_168, %dma_start3A] : memref<4x68x8192xf32, #tpu.memory_space<hbm>> -> memref<1x1x8192xf32, #tpu.memory_space<hbm>>
      %dma_start3A_170 = tpu.memref_squeeze %dma_start3A_169 : memref<1x1x8192xf32, #tpu.memory_space<hbm>> -> memref<8192xf32, #tpu.memory_space<hbm>>
      %dma_start3A_171 = arith.constant 0 : i32
      %dma_start3A_172 = tpu.memref_slice %arg3[%select_n3A, %add3A_168, %dma_start3A_171] : memref<4x68x8192xf32, #tpu.memory_space<hbm>> -> memref<1x1x8192xf32, #tpu.memory_space<hbm>>
      %dma_start3A_173 = tpu.memref_squeeze %dma_start3A_172 : memref<1x1x8192xf32, #tpu.memory_space<hbm>> -> memref<8192xf32, #tpu.memory_space<hbm>>
      tpu.enqueue_dma source(%dma_start3A_173 : memref<8192xf32, #tpu.memory_space<hbm>>) target(%arg7 : memref<8192xf32, #tpu.memory_space<vmem>>) target_semaphore(%arg11 : memref<!tpu.dma_semaphore, #tpu.memory_space<semaphore_mem>>)
    } else {
    }
    %lt3A_127 = arith.constant 68 : i32
    %lt3A_128 = arith.cmpi slt, %add3A_119, %lt3A_127 : i32
    %convert_element_type3A_129 = arith.extui %lt3A_128 : i1 to i32
    %cond3A_130 = arith.constant 0 : i32
    %cond3A_131 = arith.cmpi ne, %convert_element_type3A_129, %cond3A_130 : i32
    scf.if %cond3A_131 {
      %add3A_167 = arith.constant 48 : i32
      %add3A_168 = arith.addi %select_n3A_30, %add3A_167 : i32
      %dma_wait3A = arith.constant 0 : i32
      %dma_wait3A_169 = tpu.memref_slice %arg3[%select_n3A, %add3A_168, %dma_wait3A] : memref<4x68x8192xf32, #tpu.memory_space<hbm>> -> memref<1x1x8192xf32, #tpu.memory_space<hbm>>
      %dma_wait3A_170 = tpu.memref_squeeze %dma_wait3A_169 : memref<1x1x8192xf32, #tpu.memory_space<hbm>> -> memref<8192xf32, #tpu.memory_space<hbm>>
      %dma_wait3A_171 = arith.constant 0 : i32
      %dma_wait3A_172 = tpu.memref_slice %arg3[%select_n3A, %add3A_168, %dma_wait3A_171] : memref<4x68x8192xf32, #tpu.memory_space<hbm>> -> memref<1x1x8192xf32, #tpu.memory_space<hbm>>
      %dma_wait3A_173 = tpu.memref_squeeze %dma_wait3A_172 : memref<1x1x8192xf32, #tpu.memory_space<hbm>> -> memref<8192xf32, #tpu.memory_space<hbm>>
      tpu.wait_dma2 semaphore(%arg10 : memref<!tpu.dma_semaphore, #tpu.memory_space<semaphore_mem>>) src(%dma_wait3A_173 : memref<8192xf32, #tpu.memory_space<hbm>>) dst(%arg6 : memref<8192xf32, #tpu.memory_space<vmem>>)
      %scan3A = arith.constant 0 : i32
      %scan3A_174 = arith.constant 0 : i32
      %scan3A_175 = arith.constant 64 : i32
      %scan3A_176 = arith.addi %scan3A_174, %scan3A_175 : i32
      %scan3A_177 = arith.constant 1 : i32
      scf.for %scan3A_194 = %scan3A_174 to %scan3A_176 step %scan3A_177  : i32 {
        %mul3A_195 = arith.constant 128 : i32
        %mul3A_196 = arith.muli %scan3A_194, %mul3A_195 : i32
        %add3A_197 = arith.constant 0 : i32
        %add3A_198 = arith.addi %mul3A_196, %add3A_197 : i32
        %get3A = arith.index_cast %add3A_198 : i32 to index
        %get3A_199 = tpu.vector_load %arg5[%get3A] {strides = array<i32>} : memref<8192xi32, #tpu.memory_space<vmem>>, vector<16xi32>,
        %gather3A = tpu.vector_load_idx %arg6[%get3A_199] : memref<8192xf32, #tpu.memory_space<vmem>>[vector<16xi32>], vector<16xf32>,
        %add3A_200 = arith.constant 0 : i32
        %add3A_201 = arith.addi %mul3A_196, %add3A_200 : i32
        %swap3A = arith.index_cast %add3A_201 : i32 to index
        %swap3A_202 = tpu.vector_load %arg8[%swap3A] {strides = array<i32>} : memref<8192xf32, #tpu.memory_space<vmem>>, vector<16xf32>,
        tpu.vector_store %arg8[%swap3A], %gather3A {strides = array<i32>} : memref<8192xf32, #tpu.memory_space<vmem>>, vector<16xf32>,
        %add3A_203 = arith.constant 16 : i32
        %add3A_204 = arith.addi %mul3A_196, %add3A_203 : i32
        %get3A_205 = arith.index_cast %add3A_204 : i32 to index
        %get3A_206 = tpu.vector_load %arg5[%get3A_205] {strides = array<i32>} : memref<8192xi32, #tpu.memory_space<vmem>>, vector<16xi32>,
        %gather3A_207 = tpu.vector_load_idx %arg6[%get3A_206] : memref<8192xf32, #tpu.memory_space<vmem>>[vector<16xi32>], vector<16xf32>,
        %add3A_208 = arith.constant 16 : i32
        %add3A_209 = arith.addi %mul3A_196, %add3A_208 : i32
        %swap3A_210 = arith.index_cast %add3A_209 : i32 to index
        %swap3A_211 = tpu.vector_load %arg8[%swap3A_210] {strides = array<i32>} : memref<8192xf32, #tpu.memory_space<vmem>>, vector<16xf32>,
        tpu.vector_store %arg8[%swap3A_210], %gather3A_207 {strides = array<i32>} : memref<8192xf32, #tpu.memory_space<vmem>>, vector<16xf32>,
        %add3A_212 = arith.constant 32 : i32
        %add3A_213 = arith.addi %mul3A_196, %add3A_212 : i32
        %get3A_214 = arith.index_cast %add3A_213 : i32 to index
        %get3A_215 = tpu.vector_load %arg5[%get3A_214] {strides = array<i32>} : memref<8192xi32, #tpu.memory_space<vmem>>, vector<16xi32>,
        %gather3A_216 = tpu.vector_load_idx %arg6[%get3A_215] : memref<8192xf32, #tpu.memory_space<vmem>>[vector<16xi32>], vector<16xf32>,
        %add3A_217 = arith.constant 32 : i32
        %add3A_218 = arith.addi %mul3A_196, %add3A_217 : i32
        %swap3A_219 = arith.index_cast %add3A_218 : i32 to index
        %swap3A_220 = tpu.vector_load %arg8[%swap3A_219] {strides = array<i32>} : memref<8192xf32, #tpu.memory_space<vmem>>, vector<16xf32>,
        tpu.vector_store %arg8[%swap3A_219], %gather3A_216 {strides = array<i32>} : memref<8192xf32, #tpu.memory_space<vmem>>, vector<16xf32>,
        %add3A_221 = arith.constant 48 : i32
        %add3A_222 = arith.addi %mul3A_196, %add3A_221 : i32
        %get3A_223 = arith.index_cast %add3A_222 : i32 to index
        %get3A_224 = tpu.vector_load %arg5[%get3A_223] {strides = array<i32>} : memref<8192xi32, #tpu.memory_space<vmem>>, vector<16xi32>,
        %gather3A_225 = tpu.vector_load_idx %arg6[%get3A_224] : memref<8192xf32, #tpu.memory_space<vmem>>[vector<16xi32>], vector<16xf32>,
        %add3A_226 = arith.constant 48 : i32
        %add3A_227 = arith.addi %mul3A_196, %add3A_226 : i32
        %swap3A_228 = arith.index_cast %add3A_227 : i32 to index
        %swap3A_229 = tpu.vector_load %arg8[%swap3A_228] {strides = array<i32>} : memref<8192xf32, #tpu.memory_space<vmem>>, vector<16xf32>,
        tpu.vector_store %arg8[%swap3A_228], %gather3A_225 {strides = array<i32>} : memref<8192xf32, #tpu.memory_space<vmem>>, vector<16xf32>,
        %add3A_230 = arith.constant 64 : i32
        %add3A_231 = arith.addi %mul3A_196, %add3A_230 : i32
        %get3A_232 = arith.index_cast %add3A_231 : i32 to index
        %get3A_233 = tpu.vector_load %arg5[%get3A_232] {strides = array<i32>} : memref<8192xi32, #tpu.memory_space<vmem>>, vector<16xi32>,
        %gather3A_234 = tpu.vector_load_idx %arg6[%get3A_233] : memref<8192xf32, #tpu.memory_space<vmem>>[vector<16xi32>], vector<16xf32>,
        %add3A_235 = arith.constant 64 : i32
        %add3A_236 = arith.addi %mul3A_196, %add3A_235 : i32
        %swap3A_237 = arith.index_cast %add3A_236 : i32 to index
        %swap3A_238 = tpu.vector_load %arg8[%swap3A_237] {strides = array<i32>} : memref<8192xf32, #tpu.memory_space<vmem>>, vector<16xf32>,
        tpu.vector_store %arg8[%swap3A_237], %gather3A_234 {strides = array<i32>} : memref<8192xf32, #tpu.memory_space<vmem>>, vector<16xf32>,
        %add3A_239 = arith.constant 80 : i32
        %add3A_240 = arith.addi %mul3A_196, %add3A_239 : i32
        %get3A_241 = arith.index_cast %add3A_240 : i32 to index
        %get3A_242 = tpu.vector_load %arg5[%get3A_241] {strides = array<i32>} : memref<8192xi32, #tpu.memory_space<vmem>>, vector<16xi32>,
        %gather3A_243 = tpu.vector_load_idx %arg6[%get3A_242] : memref<8192xf32, #tpu.memory_space<vmem>>[vector<16xi32>], vector<16xf32>,
        %add3A_244 = arith.constant 80 : i32
        %add3A_245 = arith.addi %mul3A_196, %add3A_244 : i32
        %swap3A_246 = arith.index_cast %add3A_245 : i32 to index
        %swap3A_247 = tpu.vector_load %arg8[%swap3A_246] {strides = array<i32>} : memref<8192xf32, #tpu.memory_space<vmem>>, vector<16xf32>,
        tpu.vector_store %arg8[%swap3A_246], %gather3A_243 {strides = array<i32>} : memref<8192xf32, #tpu.memory_space<vmem>>, vector<16xf32>,
        %add3A_248 = arith.constant 96 : i32
        %add3A_249 = arith.addi %mul3A_196, %add3A_248 : i32
        %get3A_250 = arith.index_cast %add3A_249 : i32 to index
        %get3A_251 = tpu.vector_load %arg5[%get3A_250] {strides = array<i32>} : memref<8192xi32, #tpu.memory_space<vmem>>, vector<16xi32>,
        %gather3A_252 = tpu.vector_load_idx %arg6[%get3A_251] : memref<8192xf32, #tpu.memory_space<vmem>>[vector<16xi32>], vector<16xf32>,
        %add3A_253 = arith.constant 96 : i32
        %add3A_254 = arith.addi %mul3A_196, %add3A_253 : i32
        %swap3A_255 = arith.index_cast %add3A_254 : i32 to index
        %swap3A_256 = tpu.vector_load %arg8[%swap3A_255] {strides = array<i32>} : memref<8192xf32, #tpu.memory_space<vmem>>, vector<16xf32>,
        tpu.vector_store %arg8[%swap3A_255], %gather3A_252 {strides = array<i32>} : memref<8192xf32, #tpu.memory_space<vmem>>, vector<16xf32>,
        %add3A_257 = arith.constant 112 : i32
        %add3A_258 = arith.addi %mul3A_196, %add3A_257 : i32
        %get3A_259 = arith.index_cast %add3A_258 : i32 to index
        %get3A_260 = tpu.vector_load %arg5[%get3A_259] {strides = array<i32>} : memref<8192xi32, #tpu.memory_space<vmem>>, vector<16xi32>,
        %gather3A_261 = tpu.vector_load_idx %arg6[%get3A_260] : memref<8192xf32, #tpu.memory_space<vmem>>[vector<16xi32>], vector<16xf32>,
        %add3A_262 = arith.constant 112 : i32
        %add3A_263 = arith.addi %mul3A_196, %add3A_262 : i32
        %swap3A_264 = arith.index_cast %add3A_263 : i32 to index
        %swap3A_265 = tpu.vector_load %arg8[%swap3A_264] {strides = array<i32>} : memref<8192xf32, #tpu.memory_space<vmem>>, vector<16xf32>,
        tpu.vector_store %arg8[%swap3A_264], %gather3A_261 {strides = array<i32>} : memref<8192xf32, #tpu.memory_space<vmem>>, vector<16xf32>,
      }
      %scan3A_178 = arith.constant 64 : i32
      %add3A_179 = arith.constant 32 : i32
      %add3A_180 = arith.addi %select_n3A_30, %add3A_179 : i32
      %dma_wait3A_181 = arith.constant 0 : i32
      %dma_wait3A_182 = tpu.memref_slice %arg4[%select_n3A, %add3A_180, %dma_wait3A_181] : memref<4x68x8192xf32, #tpu.memory_space<hbm>> -> memref<1x1x8192xf32, #tpu.memory_space<hbm>>
      %dma_wait3A_183 = tpu.memref_squeeze %dma_wait3A_182 : memref<1x1x8192xf32, #tpu.memory_space<hbm>> -> memref<8192xf32, #tpu.memory_space<hbm>>
      %dma_wait3A_184 = arith.constant 0 : i32
      %dma_wait3A_185 = tpu.memref_slice %arg4[%select_n3A, %add3A_180, %dma_wait3A_184] : memref<4x68x8192xf32, #tpu.memory_space<hbm>> -> memref<1x1x8192xf32, #tpu.memory_space<hbm>>
      %dma_wait3A_186 = tpu.memref_squeeze %dma_wait3A_185 : memref<1x1x8192xf32, #tpu.memory_space<hbm>> -> memref<8192xf32, #tpu.memory_space<hbm>>
      tpu.wait_dma2 semaphore(%arg12 : memref<!tpu.dma_semaphore, #tpu.memory_space<semaphore_mem>>) src(%arg8 : memref<8192xf32, #tpu.memory_space<vmem>>) dst(%dma_wait3A_186 : memref<8192xf32, #tpu.memory_space<hbm>>)
      %add3A_187 = arith.constant 48 : i32
      %add3A_188 = arith.addi %select_n3A_30, %add3A_187 : i32
      %dma_start3A = arith.constant 0 : i32
      %dma_start3A_189 = tpu.memref_slice %arg4[%select_n3A, %add3A_188, %dma_start3A] : memref<4x68x8192xf32, #tpu.memory_space<hbm>> -> memref<1x1x8192xf32, #tpu.memory_space<hbm>>
      %dma_start3A_190 = tpu.memref_squeeze %dma_start3A_189 : memref<1x1x8192xf32, #tpu.memory_space<hbm>> -> memref<8192xf32, #tpu.memory_space<hbm>>
      %dma_start3A_191 = arith.constant 0 : i32
      %dma_start3A_192 = tpu.memref_slice %arg4[%select_n3A, %add3A_188, %dma_start3A_191] : memref<4x68x8192xf32, #tpu.memory_space<hbm>> -> memref<1x1x8192xf32, #tpu.memory_space<hbm>>
      %dma_start3A_193 = tpu.memref_squeeze %dma_start3A_192 : memref<1x1x8192xf32, #tpu.memory_space<hbm>> -> memref<8192xf32, #tpu.memory_space<hbm>>
      tpu.enqueue_dma source(%arg8 : memref<8192xf32, #tpu.memory_space<vmem>>) target(%dma_start3A_193 : memref<8192xf32, #tpu.memory_space<hbm>>) target_semaphore(%arg12 : memref<!tpu.dma_semaphore, #tpu.memory_space<semaphore_mem>>)
    } else {
    }
    %add3A_132 = arith.constant 56 : i32
    %add3A_133 = arith.addi %select_n3A_30, %add3A_132 : i32
    %add3A_134 = arith.constant 8 : i32
    %add3A_135 = arith.addi %add3A_133, %add3A_134 : i32
    %lt3A_136 = arith.constant 68 : i32
    %lt3A_137 = arith.cmpi slt, %add3A_135, %lt3A_136 : i32
    %convert_element_type3A_138 = arith.extui %lt3A_137 : i1 to i32
    %cond3A_139 = arith.constant 0 : i32
    %cond3A_140 = arith.cmpi ne, %convert_element_type3A_138, %cond3A_139 : i32
    scf.if %cond3A_140 {
      %add3A_167 = arith.constant 64 : i32
      %add3A_168 = arith.addi %select_n3A_30, %add3A_167 : i32
      %dma_start3A = arith.constant 0 : i32
      %dma_start3A_169 = tpu.memref_slice %arg3[%select_n3A, %add3A_168, %dma_start3A] : memref<4x68x8192xf32, #tpu.memory_space<hbm>> -> memref<1x1x8192xf32, #tpu.memory_space<hbm>>
      %dma_start3A_170 = tpu.memref_squeeze %dma_start3A_169 : memref<1x1x8192xf32, #tpu.memory_space<hbm>> -> memref<8192xf32, #tpu.memory_space<hbm>>
      %dma_start3A_171 = arith.constant 0 : i32
      %dma_start3A_172 = tpu.memref_slice %arg3[%select_n3A, %add3A_168, %dma_start3A_171] : memref<4x68x8192xf32, #tpu.memory_space<hbm>> -> memref<1x1x8192xf32, #tpu.memory_space<hbm>>
      %dma_start3A_173 = tpu.memref_squeeze %dma_start3A_172 : memref<1x1x8192xf32, #tpu.memory_space<hbm>> -> memref<8192xf32, #tpu.memory_space<hbm>>
      tpu.enqueue_dma source(%dma_start3A_173 : memref<8192xf32, #tpu.memory_space<hbm>>) target(%arg6 : memref<8192xf32, #tpu.memory_space<vmem>>) target_semaphore(%arg10 : memref<!tpu.dma_semaphore, #tpu.memory_space<semaphore_mem>>)
    } else {
    }
    %lt3A_141 = arith.constant 68 : i32
    %lt3A_142 = arith.cmpi slt, %add3A_133, %lt3A_141 : i32
    %convert_element_type3A_143 = arith.extui %lt3A_142 : i1 to i32
    %cond3A_144 = arith.constant 0 : i32
    %cond3A_145 = arith.cmpi ne, %convert_element_type3A_143, %cond3A_144 : i32
    scf.if %cond3A_145 {
      %add3A_167 = arith.constant 56 : i32
      %add3A_168 = arith.addi %select_n3A_30, %add3A_167 : i32
      %dma_wait3A = arith.constant 0 : i32
      %dma_wait3A_169 = tpu.memref_slice %arg3[%select_n3A, %add3A_168, %dma_wait3A] : memref<4x68x8192xf32, #tpu.memory_space<hbm>> -> memref<1x1x8192xf32, #tpu.memory_space<hbm>>
      %dma_wait3A_170 = tpu.memref_squeeze %dma_wait3A_169 : memref<1x1x8192xf32, #tpu.memory_space<hbm>> -> memref<8192xf32, #tpu.memory_space<hbm>>
      %dma_wait3A_171 = arith.constant 0 : i32
      %dma_wait3A_172 = tpu.memref_slice %arg3[%select_n3A, %add3A_168, %dma_wait3A_171] : memref<4x68x8192xf32, #tpu.memory_space<hbm>> -> memref<1x1x8192xf32, #tpu.memory_space<hbm>>
      %dma_wait3A_173 = tpu.memref_squeeze %dma_wait3A_172 : memref<1x1x8192xf32, #tpu.memory_space<hbm>> -> memref<8192xf32, #tpu.memory_space<hbm>>
      tpu.wait_dma2 semaphore(%arg11 : memref<!tpu.dma_semaphore, #tpu.memory_space<semaphore_mem>>) src(%dma_wait3A_173 : memref<8192xf32, #tpu.memory_space<hbm>>) dst(%arg7 : memref<8192xf32, #tpu.memory_space<vmem>>)
      %scan3A = arith.constant 0 : i32
      %scan3A_174 = arith.constant 0 : i32
      %scan3A_175 = arith.constant 64 : i32
      %scan3A_176 = arith.addi %scan3A_174, %scan3A_175 : i32
      %scan3A_177 = arith.constant 1 : i32
      scf.for %scan3A_194 = %scan3A_174 to %scan3A_176 step %scan3A_177  : i32 {
        %mul3A_195 = arith.constant 128 : i32
        %mul3A_196 = arith.muli %scan3A_194, %mul3A_195 : i32
        %add3A_197 = arith.constant 0 : i32
        %add3A_198 = arith.addi %mul3A_196, %add3A_197 : i32
        %get3A = arith.index_cast %add3A_198 : i32 to index
        %get3A_199 = tpu.vector_load %arg5[%get3A] {strides = array<i32>} : memref<8192xi32, #tpu.memory_space<vmem>>, vector<16xi32>,
        %gather3A = tpu.vector_load_idx %arg7[%get3A_199] : memref<8192xf32, #tpu.memory_space<vmem>>[vector<16xi32>], vector<16xf32>,
        %add3A_200 = arith.constant 0 : i32
        %add3A_201 = arith.addi %mul3A_196, %add3A_200 : i32
        %swap3A = arith.index_cast %add3A_201 : i32 to index
        %swap3A_202 = tpu.vector_load %arg9[%swap3A] {strides = array<i32>} : memref<8192xf32, #tpu.memory_space<vmem>>, vector<16xf32>,
        tpu.vector_store %arg9[%swap3A], %gather3A {strides = array<i32>} : memref<8192xf32, #tpu.memory_space<vmem>>, vector<16xf32>,
        %add3A_203 = arith.constant 16 : i32
        %add3A_204 = arith.addi %mul3A_196, %add3A_203 : i32
        %get3A_205 = arith.index_cast %add3A_204 : i32 to index
        %get3A_206 = tpu.vector_load %arg5[%get3A_205] {strides = array<i32>} : memref<8192xi32, #tpu.memory_space<vmem>>, vector<16xi32>,
        %gather3A_207 = tpu.vector_load_idx %arg7[%get3A_206] : memref<8192xf32, #tpu.memory_space<vmem>>[vector<16xi32>], vector<16xf32>,
        %add3A_208 = arith.constant 16 : i32
        %add3A_209 = arith.addi %mul3A_196, %add3A_208 : i32
        %swap3A_210 = arith.index_cast %add3A_209 : i32 to index
        %swap3A_211 = tpu.vector_load %arg9[%swap3A_210] {strides = array<i32>} : memref<8192xf32, #tpu.memory_space<vmem>>, vector<16xf32>,
        tpu.vector_store %arg9[%swap3A_210], %gather3A_207 {strides = array<i32>} : memref<8192xf32, #tpu.memory_space<vmem>>, vector<16xf32>,
        %add3A_212 = arith.constant 32 : i32
        %add3A_213 = arith.addi %mul3A_196, %add3A_212 : i32
        %get3A_214 = arith.index_cast %add3A_213 : i32 to index
        %get3A_215 = tpu.vector_load %arg5[%get3A_214] {strides = array<i32>} : memref<8192xi32, #tpu.memory_space<vmem>>, vector<16xi32>,
        %gather3A_216 = tpu.vector_load_idx %arg7[%get3A_215] : memref<8192xf32, #tpu.memory_space<vmem>>[vector<16xi32>], vector<16xf32>,
        %add3A_217 = arith.constant 32 : i32
        %add3A_218 = arith.addi %mul3A_196, %add3A_217 : i32
        %swap3A_219 = arith.index_cast %add3A_218 : i32 to index
        %swap3A_220 = tpu.vector_load %arg9[%swap3A_219] {strides = array<i32>} : memref<8192xf32, #tpu.memory_space<vmem>>, vector<16xf32>,
        tpu.vector_store %arg9[%swap3A_219], %gather3A_216 {strides = array<i32>} : memref<8192xf32, #tpu.memory_space<vmem>>, vector<16xf32>,
        %add3A_221 = arith.constant 48 : i32
        %add3A_222 = arith.addi %mul3A_196, %add3A_221 : i32
        %get3A_223 = arith.index_cast %add3A_222 : i32 to index
        %get3A_224 = tpu.vector_load %arg5[%get3A_223] {strides = array<i32>} : memref<8192xi32, #tpu.memory_space<vmem>>, vector<16xi32>,
        %gather3A_225 = tpu.vector_load_idx %arg7[%get3A_224] : memref<8192xf32, #tpu.memory_space<vmem>>[vector<16xi32>], vector<16xf32>,
        %add3A_226 = arith.constant 48 : i32
        %add3A_227 = arith.addi %mul3A_196, %add3A_226 : i32
        %swap3A_228 = arith.index_cast %add3A_227 : i32 to index
        %swap3A_229 = tpu.vector_load %arg9[%swap3A_228] {strides = array<i32>} : memref<8192xf32, #tpu.memory_space<vmem>>, vector<16xf32>,
        tpu.vector_store %arg9[%swap3A_228], %gather3A_225 {strides = array<i32>} : memref<8192xf32, #tpu.memory_space<vmem>>, vector<16xf32>,
        %add3A_230 = arith.constant 64 : i32
        %add3A_231 = arith.addi %mul3A_196, %add3A_230 : i32
        %get3A_232 = arith.index_cast %add3A_231 : i32 to index
        %get3A_233 = tpu.vector_load %arg5[%get3A_232] {strides = array<i32>} : memref<8192xi32, #tpu.memory_space<vmem>>, vector<16xi32>,
        %gather3A_234 = tpu.vector_load_idx %arg7[%get3A_233] : memref<8192xf32, #tpu.memory_space<vmem>>[vector<16xi32>], vector<16xf32>,
        %add3A_235 = arith.constant 64 : i32
        %add3A_236 = arith.addi %mul3A_196, %add3A_235 : i32
        %swap3A_237 = arith.index_cast %add3A_236 : i32 to index
        %swap3A_238 = tpu.vector_load %arg9[%swap3A_237] {strides = array<i32>} : memref<8192xf32, #tpu.memory_space<vmem>>, vector<16xf32>,
        tpu.vector_store %arg9[%swap3A_237], %gather3A_234 {strides = array<i32>} : memref<8192xf32, #tpu.memory_space<vmem>>, vector<16xf32>,
        %add3A_239 = arith.constant 80 : i32
        %add3A_240 = arith.addi %mul3A_196, %add3A_239 : i32
        %get3A_241 = arith.index_cast %add3A_240 : i32 to index
        %get3A_242 = tpu.vector_load %arg5[%get3A_241] {strides = array<i32>} : memref<8192xi32, #tpu.memory_space<vmem>>, vector<16xi32>,
        %gather3A_243 = tpu.vector_load_idx %arg7[%get3A_242] : memref<8192xf32, #tpu.memory_space<vmem>>[vector<16xi32>], vector<16xf32>,
        %add3A_244 = arith.constant 80 : i32
        %add3A_245 = arith.addi %mul3A_196, %add3A_244 : i32
        %swap3A_246 = arith.index_cast %add3A_245 : i32 to index
        %swap3A_247 = tpu.vector_load %arg9[%swap3A_246] {strides = array<i32>} : memref<8192xf32, #tpu.memory_space<vmem>>, vector<16xf32>,
        tpu.vector_store %arg9[%swap3A_246], %gather3A_243 {strides = array<i32>} : memref<8192xf32, #tpu.memory_space<vmem>>, vector<16xf32>,
        %add3A_248 = arith.constant 96 : i32
        %add3A_249 = arith.addi %mul3A_196, %add3A_248 : i32
        %get3A_250 = arith.index_cast %add3A_249 : i32 to index
        %get3A_251 = tpu.vector_load %arg5[%get3A_250] {strides = array<i32>} : memref<8192xi32, #tpu.memory_space<vmem>>, vector<16xi32>,
        %gather3A_252 = tpu.vector_load_idx %arg7[%get3A_251] : memref<8192xf32, #tpu.memory_space<vmem>>[vector<16xi32>], vector<16xf32>,
        %add3A_253 = arith.constant 96 : i32
        %add3A_254 = arith.addi %mul3A_196, %add3A_253 : i32
        %swap3A_255 = arith.index_cast %add3A_254 : i32 to index
        %swap3A_256 = tpu.vector_load %arg9[%swap3A_255] {strides = array<i32>} : memref<8192xf32, #tpu.memory_space<vmem>>, vector<16xf32>,
        tpu.vector_store %arg9[%swap3A_255], %gather3A_252 {strides = array<i32>} : memref<8192xf32, #tpu.memory_space<vmem>>, vector<16xf32>,
        %add3A_257 = arith.constant 112 : i32
        %add3A_258 = arith.addi %mul3A_196, %add3A_257 : i32
        %get3A_259 = arith.index_cast %add3A_258 : i32 to index
        %get3A_260 = tpu.vector_load %arg5[%get3A_259] {strides = array<i32>} : memref<8192xi32, #tpu.memory_space<vmem>>, vector<16xi32>,
        %gather3A_261 = tpu.vector_load_idx %arg7[%get3A_260] : memref<8192xf32, #tpu.memory_space<vmem>>[vector<16xi32>], vector<16xf32>,
        %add3A_262 = arith.constant 112 : i32
        %add3A_263 = arith.addi %mul3A_196, %add3A_262 : i32
        %swap3A_264 = arith.index_cast %add3A_263 : i32 to index
        %swap3A_265 = tpu.vector_load %arg9[%swap3A_264] {strides = array<i32>} : memref<8192xf32, #tpu.memory_space<vmem>>, vector<16xf32>,
        tpu.vector_store %arg9[%swap3A_264], %gather3A_261 {strides = array<i32>} : memref<8192xf32, #tpu.memory_space<vmem>>, vector<16xf32>,
      }
      %scan3A_178 = arith.constant 64 : i32
      %add3A_179 = arith.constant 40 : i32
      %add3A_180 = arith.addi %select_n3A_30, %add3A_179 : i32
      %dma_wait3A_181 = arith.constant 0 : i32
      %dma_wait3A_182 = tpu.memref_slice %arg4[%select_n3A, %add3A_180, %dma_wait3A_181] : memref<4x68x8192xf32, #tpu.memory_space<hbm>> -> memref<1x1x8192xf32, #tpu.memory_space<hbm>>
      %dma_wait3A_183 = tpu.memref_squeeze %dma_wait3A_182 : memref<1x1x8192xf32, #tpu.memory_space<hbm>> -> memref<8192xf32, #tpu.memory_space<hbm>>
      %dma_wait3A_184 = arith.constant 0 : i32
      %dma_wait3A_185 = tpu.memref_slice %arg4[%select_n3A, %add3A_180, %dma_wait3A_184] : memref<4x68x8192xf32, #tpu.memory_space<hbm>> -> memref<1x1x8192xf32, #tpu.memory_space<hbm>>
      %dma_wait3A_186 = tpu.memref_squeeze %dma_wait3A_185 : memref<1x1x8192xf32, #tpu.memory_space<hbm>> -> memref<8192xf32, #tpu.memory_space<hbm>>
      tpu.wait_dma2 semaphore(%arg13 : memref<!tpu.dma_semaphore, #tpu.memory_space<semaphore_mem>>) src(%arg9 : memref<8192xf32, #tpu.memory_space<vmem>>) dst(%dma_wait3A_186 : memref<8192xf32, #tpu.memory_space<hbm>>)
      %add3A_187 = arith.constant 56 : i32
      %add3A_188 = arith.addi %select_n3A_30, %add3A_187 : i32
      %dma_start3A = arith.constant 0 : i32
      %dma_start3A_189 = tpu.memref_slice %arg4[%select_n3A, %add3A_188, %dma_start3A] : memref<4x68x8192xf32, #tpu.memory_space<hbm>> -> memref<1x1x8192xf32, #tpu.memory_space<hbm>>
      %dma_start3A_190 = tpu.memref_squeeze %dma_start3A_189 : memref<1x1x8192xf32, #tpu.memory_space<hbm>> -> memref<8192xf32, #tpu.memory_space<hbm>>
      %dma_start3A_191 = arith.constant 0 : i32
      %dma_start3A_192 = tpu.memref_slice %arg4[%select_n3A, %add3A_188, %dma_start3A_191] : memref<4x68x8192xf32, #tpu.memory_space<hbm>> -> memref<1x1x8192xf32, #tpu.memory_space<hbm>>
      %dma_start3A_193 = tpu.memref_squeeze %dma_start3A_192 : memref<1x1x8192xf32, #tpu.memory_space<hbm>> -> memref<8192xf32, #tpu.memory_space<hbm>>
      tpu.enqueue_dma source(%arg9 : memref<8192xf32, #tpu.memory_space<vmem>>) target(%dma_start3A_193 : memref<8192xf32, #tpu.memory_space<hbm>>) target_semaphore(%arg13 : memref<!tpu.dma_semaphore, #tpu.memory_space<semaphore_mem>>)
    } else {
    }
    %add3A_146 = arith.constant 64 : i32
    %add3A_147 = arith.addi %select_n3A_30, %add3A_146 : i32
    %lt3A_148 = arith.constant 68 : i32
    %lt3A_149 = arith.cmpi slt, %add3A_147, %lt3A_148 : i32
    %convert_element_type3A_150 = arith.extui %lt3A_149 : i1 to i32
    %cond3A_151 = arith.constant 0 : i32
    %cond3A_152 = arith.cmpi ne, %convert_element_type3A_150, %cond3A_151 : i32
    scf.if %cond3A_152 {
      %add3A_167 = arith.constant 64 : i32
      %add3A_168 = arith.addi %select_n3A_30, %add3A_167 : i32
      %dma_wait3A = arith.constant 0 : i32
      %dma_wait3A_169 = tpu.memref_slice %arg3[%select_n3A, %add3A_168, %dma_wait3A] : memref<4x68x8192xf32, #tpu.memory_space<hbm>> -> memref<1x1x8192xf32, #tpu.memory_space<hbm>>
      %dma_wait3A_170 = tpu.memref_squeeze %dma_wait3A_169 : memref<1x1x8192xf32, #tpu.memory_space<hbm>> -> memref<8192xf32, #tpu.memory_space<hbm>>
      %dma_wait3A_171 = arith.constant 0 : i32
      %dma_wait3A_172 = tpu.memref_slice %arg3[%select_n3A, %add3A_168, %dma_wait3A_171] : memref<4x68x8192xf32, #tpu.memory_space<hbm>> -> memref<1x1x8192xf32, #tpu.memory_space<hbm>>
      %dma_wait3A_173 = tpu.memref_squeeze %dma_wait3A_172 : memref<1x1x8192xf32, #tpu.memory_space<hbm>> -> memref<8192xf32, #tpu.memory_space<hbm>>
      tpu.wait_dma2 semaphore(%arg10 : memref<!tpu.dma_semaphore, #tpu.memory_space<semaphore_mem>>) src(%dma_wait3A_173 : memref<8192xf32, #tpu.memory_space<hbm>>) dst(%arg6 : memref<8192xf32, #tpu.memory_space<vmem>>)
      %scan3A = arith.constant 0 : i32
      %scan3A_174 = arith.constant 0 : i32
      %scan3A_175 = arith.constant 64 : i32
      %scan3A_176 = arith.addi %scan3A_174, %scan3A_175 : i32
      %scan3A_177 = arith.constant 1 : i32
      scf.for %scan3A_194 = %scan3A_174 to %scan3A_176 step %scan3A_177  : i32 {
        %mul3A_195 = arith.constant 128 : i32
        %mul3A_196 = arith.muli %scan3A_194, %mul3A_195 : i32
        %add3A_197 = arith.constant 0 : i32
        %add3A_198 = arith.addi %mul3A_196, %add3A_197 : i32
        %get3A = arith.index_cast %add3A_198 : i32 to index
        %get3A_199 = tpu.vector_load %arg5[%get3A] {strides = array<i32>} : memref<8192xi32, #tpu.memory_space<vmem>>, vector<16xi32>,
        %gather3A = tpu.vector_load_idx %arg6[%get3A_199] : memref<8192xf32, #tpu.memory_space<vmem>>[vector<16xi32>], vector<16xf32>,
        %add3A_200 = arith.constant 0 : i32
        %add3A_201 = arith.addi %mul3A_196, %add3A_200 : i32
        %swap3A = arith.index_cast %add3A_201 : i32 to index
        %swap3A_202 = tpu.vector_load %arg8[%swap3A] {strides = array<i32>} : memref<8192xf32, #tpu.memory_space<vmem>>, vector<16xf32>,
        tpu.vector_store %arg8[%swap3A], %gather3A {strides = array<i32>} : memref<8192xf32, #tpu.memory_space<vmem>>, vector<16xf32>,
        %add3A_203 = arith.constant 16 : i32
        %add3A_204 = arith.addi %mul3A_196, %add3A_203 : i32
        %get3A_205 = arith.index_cast %add3A_204 : i32 to index
        %get3A_206 = tpu.vector_load %arg5[%get3A_205] {strides = array<i32>} : memref<8192xi32, #tpu.memory_space<vmem>>, vector<16xi32>,
        %gather3A_207 = tpu.vector_load_idx %arg6[%get3A_206] : memref<8192xf32, #tpu.memory_space<vmem>>[vector<16xi32>], vector<16xf32>,
        %add3A_208 = arith.constant 16 : i32
        %add3A_209 = arith.addi %mul3A_196, %add3A_208 : i32
        %swap3A_210 = arith.index_cast %add3A_209 : i32 to index
        %swap3A_211 = tpu.vector_load %arg8[%swap3A_210] {strides = array<i32>} : memref<8192xf32, #tpu.memory_space<vmem>>, vector<16xf32>,
        tpu.vector_store %arg8[%swap3A_210], %gather3A_207 {strides = array<i32>} : memref<8192xf32, #tpu.memory_space<vmem>>, vector<16xf32>,
        %add3A_212 = arith.constant 32 : i32
        %add3A_213 = arith.addi %mul3A_196, %add3A_212 : i32
        %get3A_214 = arith.index_cast %add3A_213 : i32 to index
        %get3A_215 = tpu.vector_load %arg5[%get3A_214] {strides = array<i32>} : memref<8192xi32, #tpu.memory_space<vmem>>, vector<16xi32>,
        %gather3A_216 = tpu.vector_load_idx %arg6[%get3A_215] : memref<8192xf32, #tpu.memory_space<vmem>>[vector<16xi32>], vector<16xf32>,
        %add3A_217 = arith.constant 32 : i32
        %add3A_218 = arith.addi %mul3A_196, %add3A_217 : i32
        %swap3A_219 = arith.index_cast %add3A_218 : i32 to index
        %swap3A_220 = tpu.vector_load %arg8[%swap3A_219] {strides = array<i32>} : memref<8192xf32, #tpu.memory_space<vmem>>, vector<16xf32>,
        tpu.vector_store %arg8[%swap3A_219], %gather3A_216 {strides = array<i32>} : memref<8192xf32, #tpu.memory_space<vmem>>, vector<16xf32>,
        %add3A_221 = arith.constant 48 : i32
        %add3A_222 = arith.addi %mul3A_196, %add3A_221 : i32
        %get3A_223 = arith.index_cast %add3A_222 : i32 to index
        %get3A_224 = tpu.vector_load %arg5[%get3A_223] {strides = array<i32>} : memref<8192xi32, #tpu.memory_space<vmem>>, vector<16xi32>,
        %gather3A_225 = tpu.vector_load_idx %arg6[%get3A_224] : memref<8192xf32, #tpu.memory_space<vmem>>[vector<16xi32>], vector<16xf32>,
        %add3A_226 = arith.constant 48 : i32
        %add3A_227 = arith.addi %mul3A_196, %add3A_226 : i32
        %swap3A_228 = arith.index_cast %add3A_227 : i32 to index
        %swap3A_229 = tpu.vector_load %arg8[%swap3A_228] {strides = array<i32>} : memref<8192xf32, #tpu.memory_space<vmem>>, vector<16xf32>,
        tpu.vector_store %arg8[%swap3A_228], %gather3A_225 {strides = array<i32>} : memref<8192xf32, #tpu.memory_space<vmem>>, vector<16xf32>,
        %add3A_230 = arith.constant 64 : i32
        %add3A_231 = arith.addi %mul3A_196, %add3A_230 : i32
        %get3A_232 = arith.index_cast %add3A_231 : i32 to index
        %get3A_233 = tpu.vector_load %arg5[%get3A_232] {strides = array<i32>} : memref<8192xi32, #tpu.memory_space<vmem>>, vector<16xi32>,
        %gather3A_234 = tpu.vector_load_idx %arg6[%get3A_233] : memref<8192xf32, #tpu.memory_space<vmem>>[vector<16xi32>], vector<16xf32>,
        %add3A_235 = arith.constant 64 : i32
        %add3A_236 = arith.addi %mul3A_196, %add3A_235 : i32
        %swap3A_237 = arith.index_cast %add3A_236 : i32 to index
        %swap3A_238 = tpu.vector_load %arg8[%swap3A_237] {strides = array<i32>} : memref<8192xf32, #tpu.memory_space<vmem>>, vector<16xf32>,
        tpu.vector_store %arg8[%swap3A_237], %gather3A_234 {strides = array<i32>} : memref<8192xf32, #tpu.memory_space<vmem>>, vector<16xf32>,
        %add3A_239 = arith.constant 80 : i32
        %add3A_240 = arith.addi %mul3A_196, %add3A_239 : i32
        %get3A_241 = arith.index_cast %add3A_240 : i32 to index
        %get3A_242 = tpu.vector_load %arg5[%get3A_241] {strides = array<i32>} : memref<8192xi32, #tpu.memory_space<vmem>>, vector<16xi32>,
        %gather3A_243 = tpu.vector_load_idx %arg6[%get3A_242] : memref<8192xf32, #tpu.memory_space<vmem>>[vector<16xi32>], vector<16xf32>,
        %add3A_244 = arith.constant 80 : i32
        %add3A_245 = arith.addi %mul3A_196, %add3A_244 : i32
        %swap3A_246 = arith.index_cast %add3A_245 : i32 to index
        %swap3A_247 = tpu.vector_load %arg8[%swap3A_246] {strides = array<i32>} : memref<8192xf32, #tpu.memory_space<vmem>>, vector<16xf32>,
        tpu.vector_store %arg8[%swap3A_246], %gather3A_243 {strides = array<i32>} : memref<8192xf32, #tpu.memory_space<vmem>>, vector<16xf32>,
        %add3A_248 = arith.constant 96 : i32
        %add3A_249 = arith.addi %mul3A_196, %add3A_248 : i32
        %get3A_250 = arith.index_cast %add3A_249 : i32 to index
        %get3A_251 = tpu.vector_load %arg5[%get3A_250] {strides = array<i32>} : memref<8192xi32, #tpu.memory_space<vmem>>, vector<16xi32>,
        %gather3A_252 = tpu.vector_load_idx %arg6[%get3A_251] : memref<8192xf32, #tpu.memory_space<vmem>>[vector<16xi32>], vector<16xf32>,
        %add3A_253 = arith.constant 96 : i32
        %add3A_254 = arith.addi %mul3A_196, %add3A_253 : i32
        %swap3A_255 = arith.index_cast %add3A_254 : i32 to index
        %swap3A_256 = tpu.vector_load %arg8[%swap3A_255] {strides = array<i32>} : memref<8192xf32, #tpu.memory_space<vmem>>, vector<16xf32>,
        tpu.vector_store %arg8[%swap3A_255], %gather3A_252 {strides = array<i32>} : memref<8192xf32, #tpu.memory_space<vmem>>, vector<16xf32>,
        %add3A_257 = arith.constant 112 : i32
        %add3A_258 = arith.addi %mul3A_196, %add3A_257 : i32
        %get3A_259 = arith.index_cast %add3A_258 : i32 to index
        %get3A_260 = tpu.vector_load %arg5[%get3A_259] {strides = array<i32>} : memref<8192xi32, #tpu.memory_space<vmem>>, vector<16xi32>,
        %gather3A_261 = tpu.vector_load_idx %arg6[%get3A_260] : memref<8192xf32, #tpu.memory_space<vmem>>[vector<16xi32>], vector<16xf32>,
        %add3A_262 = arith.constant 112 : i32
        %add3A_263 = arith.addi %mul3A_196, %add3A_262 : i32
        %swap3A_264 = arith.index_cast %add3A_263 : i32 to index
        %swap3A_265 = tpu.vector_load %arg8[%swap3A_264] {strides = array<i32>} : memref<8192xf32, #tpu.memory_space<vmem>>, vector<16xf32>,
        tpu.vector_store %arg8[%swap3A_264], %gather3A_261 {strides = array<i32>} : memref<8192xf32, #tpu.memory_space<vmem>>, vector<16xf32>,
      }
      %scan3A_178 = arith.constant 64 : i32
      %add3A_179 = arith.constant 48 : i32
      %add3A_180 = arith.addi %select_n3A_30, %add3A_179 : i32
      %dma_wait3A_181 = arith.constant 0 : i32
      %dma_wait3A_182 = tpu.memref_slice %arg4[%select_n3A, %add3A_180, %dma_wait3A_181] : memref<4x68x8192xf32, #tpu.memory_space<hbm>> -> memref<1x1x8192xf32, #tpu.memory_space<hbm>>
      %dma_wait3A_183 = tpu.memref_squeeze %dma_wait3A_182 : memref<1x1x8192xf32, #tpu.memory_space<hbm>> -> memref<8192xf32, #tpu.memory_space<hbm>>
      %dma_wait3A_184 = arith.constant 0 : i32
      %dma_wait3A_185 = tpu.memref_slice %arg4[%select_n3A, %add3A_180, %dma_wait3A_184] : memref<4x68x8192xf32, #tpu.memory_space<hbm>> -> memref<1x1x8192xf32, #tpu.memory_space<hbm>>
      %dma_wait3A_186 = tpu.memref_squeeze %dma_wait3A_185 : memref<1x1x8192xf32, #tpu.memory_space<hbm>> -> memref<8192xf32, #tpu.memory_space<hbm>>
      tpu.wait_dma2 semaphore(%arg12 : memref<!tpu.dma_semaphore, #tpu.memory_space<semaphore_mem>>) src(%arg8 : memref<8192xf32, #tpu.memory_space<vmem>>) dst(%dma_wait3A_186 : memref<8192xf32, #tpu.memory_space<hbm>>)
      %add3A_187 = arith.constant 64 : i32
      %add3A_188 = arith.addi %select_n3A_30, %add3A_187 : i32
      %dma_start3A = arith.constant 0 : i32
      %dma_start3A_189 = tpu.memref_slice %arg4[%select_n3A, %add3A_188, %dma_start3A] : memref<4x68x8192xf32, #tpu.memory_space<hbm>> -> memref<1x1x8192xf32, #tpu.memory_space<hbm>>
      %dma_start3A_190 = tpu.memref_squeeze %dma_start3A_189 : memref<1x1x8192xf32, #tpu.memory_space<hbm>> -> memref<8192xf32, #tpu.memory_space<hbm>>
      %dma_start3A_191 = arith.constant 0 : i32
      %dma_start3A_192 = tpu.memref_slice %arg4[%select_n3A, %add3A_188, %dma_start3A_191] : memref<4x68x8192xf32, #tpu.memory_space<hbm>> -> memref<1x1x8192xf32, #tpu.memory_space<hbm>>
      %dma_start3A_193 = tpu.memref_squeeze %dma_start3A_192 : memref<1x1x8192xf32, #tpu.memory_space<hbm>> -> memref<8192xf32, #tpu.memory_space<hbm>>
      tpu.enqueue_dma source(%arg8 : memref<8192xf32, #tpu.memory_space<vmem>>) target(%dma_start3A_193 : memref<8192xf32, #tpu.memory_space<hbm>>) target_semaphore(%arg12 : memref<!tpu.dma_semaphore, #tpu.memory_space<semaphore_mem>>)
    } else {
    }
    %add3A_153 = arith.constant 56 : i32
    %add3A_154 = arith.addi %select_n3A_30, %add3A_153 : i32
    %lt3A_155 = arith.constant 68 : i32
    %lt3A_156 = arith.cmpi slt, %add3A_154, %lt3A_155 : i32
    %convert_element_type3A_157 = arith.extui %lt3A_156 : i1 to i32
    %cond3A_158 = arith.constant 0 : i32
    %cond3A_159 = arith.cmpi ne, %convert_element_type3A_157, %cond3A_158 : i32
    scf.if %cond3A_159 {
      %add3A_167 = arith.constant 56 : i32
      %add3A_168 = arith.addi %select_n3A_30, %add3A_167 : i32
      %dma_wait3A = arith.constant 0 : i32
      %dma_wait3A_169 = tpu.memref_slice %arg4[%select_n3A, %add3A_168, %dma_wait3A] : memref<4x68x8192xf32, #tpu.memory_space<hbm>> -> memref<1x1x8192xf32, #tpu.memory_space<hbm>>
      %dma_wait3A_170 = tpu.memref_squeeze %dma_wait3A_169 : memref<1x1x8192xf32, #tpu.memory_space<hbm>> -> memref<8192xf32, #tpu.memory_space<hbm>>
      %dma_wait3A_171 = arith.constant 0 : i32
      %dma_wait3A_172 = tpu.memref_slice %arg4[%select_n3A, %add3A_168, %dma_wait3A_171] : memref<4x68x8192xf32, #tpu.memory_space<hbm>> -> memref<1x1x8192xf32, #tpu.memory_space<hbm>>
      %dma_wait3A_173 = tpu.memref_squeeze %dma_wait3A_172 : memref<1x1x8192xf32, #tpu.memory_space<hbm>> -> memref<8192xf32, #tpu.memory_space<hbm>>
      tpu.wait_dma2 semaphore(%arg13 : memref<!tpu.dma_semaphore, #tpu.memory_space<semaphore_mem>>) src(%arg9 : memref<8192xf32, #tpu.memory_space<vmem>>) dst(%dma_wait3A_173 : memref<8192xf32, #tpu.memory_space<hbm>>)
    } else {
    }
    %add3A_160 = arith.constant 64 : i32
    %add3A_161 = arith.addi %select_n3A_30, %add3A_160 : i32
    %lt3A_162 = arith.constant 68 : i32
    %lt3A_163 = arith.cmpi slt, %add3A_161, %lt3A_162 : i32
    %convert_element_type3A_164 = arith.extui %lt3A_163 : i1 to i32
    %cond3A_165 = arith.constant 0 : i32
    %cond3A_166 = arith.cmpi ne, %convert_element_type3A_164, %cond3A_165 : i32
    scf.if %cond3A_166 {
      %add3A_167 = arith.constant 64 : i32
      %add3A_168 = arith.addi %select_n3A_30, %add3A_167 : i32
      %dma_wait3A = arith.constant 0 : i32
      %dma_wait3A_169 = tpu.memref_slice %arg4[%select_n3A, %add3A_168, %dma_wait3A] : memref<4x68x8192xf32, #tpu.memory_space<hbm>> -> memref<1x1x8192xf32, #tpu.memory_space<hbm>>
      %dma_wait3A_170 = tpu.memref_squeeze %dma_wait3A_169 : memref<1x1x8192xf32, #tpu.memory_space<hbm>> -> memref<8192xf32, #tpu.memory_space<hbm>>
      %dma_wait3A_171 = arith.constant 0 : i32
      %dma_wait3A_172 = tpu.memref_slice %arg4[%select_n3A, %add3A_168, %dma_wait3A_171] : memref<4x68x8192xf32, #tpu.memory_space<hbm>> -> memref<1x1x8192xf32, #tpu.memory_space<hbm>>
      %dma_wait3A_173 = tpu.memref_squeeze %dma_wait3A_172 : memref<1x1x8192xf32, #tpu.memory_space<hbm>> -> memref<8192xf32, #tpu.memory_space<hbm>>
      tpu.wait_dma2 semaphore(%arg12 : memref<!tpu.dma_semaphore, #tpu.memory_space<semaphore_mem>>) src(%arg8 : memref<8192xf32, #tpu.memory_space<vmem>>) dst(%dma_wait3A_173 : memref<8192xf32, #tpu.memory_space<hbm>>)
    } else {
    }
    return
  }
}

module attributes {stable_mosaic.version = 14 : i64} {
  func.func @_topk_body(%arg0: i32, %arg1: i32, %arg2: memref<1x64x512xf32, #tpu.memory_space<vmem>>, %arg3: memref<1x64x8192xf32, #tpu.memory_space<vmem>>, %arg4: memref<1x512x4xi32, #tpu.memory_space<vmem>>) attributes {dimension_semantics = [#tpu.dimension_semantics<arbitrary>, #tpu.dimension_semantics<arbitrary>], iteration_bounds = array<i64: 4, 4>, scalar_prefetch = 0 : i64, scratch_operands = 0 : i64, tpu.core_type = #tpu.core_type<tc>, window_params = [{transform_indices = @transform_0, window_bounds = array<i64: 1, 64, 512>}, {transform_indices = @transform_1, window_bounds = array<i64: 1, 64, 8192>}, {transform_indices = @transform_2, window_bounds = array<i64: 1, 512, 4>}]} {
    %get3A = arith.constant 0 : index
    %get3A_0 = arith.constant 0 : index
    %get3A_1 = arith.constant 0 : index
    %get3A_2 = vector.load %arg2[%get3A, %get3A_0, %get3A_1] : memref<1x64x512xf32, #tpu.memory_space<vmem>>, vector<1x64x512xf32>
    %get3A_3 = vector.shape_cast %get3A_2 : vector<1x64x512xf32> to vector<64x512xf32>
    %get3A_4 = arith.constant 0 : index
    %get3A_5 = arith.constant 0 : index
    %get3A_6 = arith.constant 0 : index
    %get3A_7 = vector.load %arg3[%get3A_4, %get3A_5, %get3A_6] : memref<1x64x8192xf32, #tpu.memory_space<vmem>>, vector<1x64x8192xf32>
    %get3A_8 = vector.shape_cast %get3A_7 : vector<1x64x8192xf32> to vector<64x8192xf32>
    %mul3A = arith.mulf %get3A_3, %get3A_3 : vector<64x512xf32>
    %reduce_sum3A = arith.constant dense<0.000000e+00> : vector<512xf32>
    %reduce_sum3A_9 = vector.multi_reduction <add>, %mul3A, %reduce_sum3A [0] : vector<64x512xf32> to vector<512xf32>
    %mul3A_10 = arith.mulf %get3A_8, %get3A_8 : vector<64x8192xf32>
    %reduce_sum3A_11 = arith.constant dense<0.000000e+00> : vector<8192xf32>
    %reduce_sum3A_12 = vector.multi_reduction <add>, %mul3A_10, %reduce_sum3A_11 [0] : vector<64x8192xf32> to vector<8192xf32>
    %dot_general3A = arith.constant dense<0.000000e+00> : vector<512x8192xf32>
    %dot_general3A_13 = tpu.matmul %get3A_3, %get3A_8, %dot_general3A {dimension_numbers = #tpu.dot_dimension_numbers<[0], [0], [1], [1], [0, 1, 1, 1], [], []>, transpose_lhs_hint = false} : vector<64x512xf32>, vector<64x8192xf32>, vector<512x8192xf32> -> vector<512x8192xf32>
    %broadcast_in_dim3A = vector.shape_cast %reduce_sum3A_9 : vector<512xf32> to vector<512x1xf32>
    %broadcast_in_dim3A_14 = vector.shape_cast %reduce_sum3A_12 : vector<8192xf32> to vector<1x8192xf32>
    %add3A = vector.broadcast %broadcast_in_dim3A : vector<512x1xf32> to vector<512x8192xf32>
    %add3A_15 = vector.broadcast %broadcast_in_dim3A_14 : vector<1x8192xf32> to vector<512x8192xf32>
    %add3A_16 = arith.addf %add3A, %add3A_15 : vector<512x8192xf32>
    %mul3A_17 = arith.constant 2.000000e+00 : f32
    %mul3A_18 = vector.broadcast %mul3A_17 : f32 to vector<512x8192xf32>
    %mul3A_19 = arith.mulf %mul3A_18, %dot_general3A_13 : vector<512x8192xf32>
    %sub3A = arith.subf %add3A_16, %mul3A_19 : vector<512x8192xf32>
    %iota3A = tpu.iota {dimensions = array<i32: 1>} : vector<512x8192xi32>
    %convert_element_type3A = arith.sitofp %iota3A : vector<512x8192xi32> to vector<512x8192xf32>
    %reduce_min3A = arith.constant dense<0x7F800000> : vector<512xf32>
    %reduce_min3A_20 = vector.multi_reduction <minimumf>, %sub3A, %reduce_min3A [1] : vector<512x8192xf32> to vector<512xf32>
    %broadcast_in_dim3A_21 = vector.shape_cast %reduce_min3A_20 : vector<512xf32> to vector<512x1xf32>
    %eq3A = vector.broadcast %broadcast_in_dim3A_21 : vector<512x1xf32> to vector<512x8192xf32>
    %eq3A_22 = arith.cmpf oeq, %sub3A, %eq3A : vector<512x8192xf32>
    %jit3A = arith.constant 8.192000e+03 : f32
    %broadcast_in_dim3A_23 = vector.broadcast %jit3A : f32 to vector<512x8192xf32>
    %select_n3A = arith.select %eq3A_22, %convert_element_type3A, %broadcast_in_dim3A_23 : vector<512x8192xi1>, vector<512x8192xf32>
    %reduce_min3A_24 = arith.constant dense<0x7F800000> : vector<512xf32>
    %reduce_min3A_25 = vector.multi_reduction <minimumf>, %select_n3A, %reduce_min3A_24 [1] : vector<512x8192xf32> to vector<512xf32>
    %broadcast_in_dim3A_26 = vector.shape_cast %reduce_min3A_25 : vector<512xf32> to vector<512x1xf32>
    %eq3A_27 = vector.broadcast %broadcast_in_dim3A_26 : vector<512x1xf32> to vector<512x8192xf32>
    %eq3A_28 = arith.cmpf oeq, %convert_element_type3A, %eq3A_27 : vector<512x8192xf32>
    %jit3A_29 = arith.constant 0x7F800000 : f32
    %broadcast_in_dim3A_30 = vector.broadcast %jit3A_29 : f32 to vector<512x8192xf32>
    %select_n3A_31 = arith.select %eq3A_28, %broadcast_in_dim3A_30, %sub3A : vector<512x8192xi1>, vector<512x8192xf32>
    %reduce_min3A_32 = arith.constant dense<0x7F800000> : vector<512xf32>
    %reduce_min3A_33 = vector.multi_reduction <minimumf>, %select_n3A_31, %reduce_min3A_32 [1] : vector<512x8192xf32> to vector<512xf32>
    %broadcast_in_dim3A_34 = vector.shape_cast %reduce_min3A_33 : vector<512xf32> to vector<512x1xf32>
    %eq3A_35 = vector.broadcast %broadcast_in_dim3A_34 : vector<512x1xf32> to vector<512x8192xf32>
    %eq3A_36 = arith.cmpf oeq, %select_n3A_31, %eq3A_35 : vector<512x8192xf32>
    %jit3A_37 = arith.constant 8.192000e+03 : f32
    %broadcast_in_dim3A_38 = vector.broadcast %jit3A_37 : f32 to vector<512x8192xf32>
    %select_n3A_39 = arith.select %eq3A_36, %convert_element_type3A, %broadcast_in_dim3A_38 : vector<512x8192xi1>, vector<512x8192xf32>
    %reduce_min3A_40 = arith.constant dense<0x7F800000> : vector<512xf32>
    %reduce_min3A_41 = vector.multi_reduction <minimumf>, %select_n3A_39, %reduce_min3A_40 [1] : vector<512x8192xf32> to vector<512xf32>
    %broadcast_in_dim3A_42 = vector.shape_cast %reduce_min3A_41 : vector<512xf32> to vector<512x1xf32>
    %eq3A_43 = vector.broadcast %broadcast_in_dim3A_42 : vector<512x1xf32> to vector<512x8192xf32>
    %eq3A_44 = arith.cmpf oeq, %convert_element_type3A, %eq3A_43 : vector<512x8192xf32>
    %jit3A_45 = arith.constant 0x7F800000 : f32
    %broadcast_in_dim3A_46 = vector.broadcast %jit3A_45 : f32 to vector<512x8192xf32>
    %select_n3A_47 = arith.select %eq3A_44, %broadcast_in_dim3A_46, %select_n3A_31 : vector<512x8192xi1>, vector<512x8192xf32>
    %reduce_min3A_48 = arith.constant dense<0x7F800000> : vector<512xf32>
    %reduce_min3A_49 = vector.multi_reduction <minimumf>, %select_n3A_47, %reduce_min3A_48 [1] : vector<512x8192xf32> to vector<512xf32>
    %broadcast_in_dim3A_50 = vector.shape_cast %reduce_min3A_49 : vector<512xf32> to vector<512x1xf32>
    %eq3A_51 = vector.broadcast %broadcast_in_dim3A_50 : vector<512x1xf32> to vector<512x8192xf32>
    %eq3A_52 = arith.cmpf oeq, %select_n3A_47, %eq3A_51 : vector<512x8192xf32>
    %jit3A_53 = arith.constant 8.192000e+03 : f32
    %broadcast_in_dim3A_54 = vector.broadcast %jit3A_53 : f32 to vector<512x8192xf32>
    %select_n3A_55 = arith.select %eq3A_52, %convert_element_type3A, %broadcast_in_dim3A_54 : vector<512x8192xi1>, vector<512x8192xf32>
    %reduce_min3A_56 = arith.constant dense<0x7F800000> : vector<512xf32>
    %reduce_min3A_57 = vector.multi_reduction <minimumf>, %select_n3A_55, %reduce_min3A_56 [1] : vector<512x8192xf32> to vector<512xf32>
    %broadcast_in_dim3A_58 = vector.shape_cast %reduce_min3A_57 : vector<512xf32> to vector<512x1xf32>
    %eq3A_59 = vector.broadcast %broadcast_in_dim3A_58 : vector<512x1xf32> to vector<512x8192xf32>
    %eq3A_60 = arith.cmpf oeq, %convert_element_type3A, %eq3A_59 : vector<512x8192xf32>
    %jit3A_61 = arith.constant 0x7F800000 : f32
    %broadcast_in_dim3A_62 = vector.broadcast %jit3A_61 : f32 to vector<512x8192xf32>
    %select_n3A_63 = arith.select %eq3A_60, %broadcast_in_dim3A_62, %select_n3A_47 : vector<512x8192xi1>, vector<512x8192xf32>
    %reduce_min3A_64 = arith.constant dense<0x7F800000> : vector<512xf32>
    %reduce_min3A_65 = vector.multi_reduction <minimumf>, %select_n3A_63, %reduce_min3A_64 [1] : vector<512x8192xf32> to vector<512xf32>
    %broadcast_in_dim3A_66 = vector.shape_cast %reduce_min3A_65 : vector<512xf32> to vector<512x1xf32>
    %eq3A_67 = vector.broadcast %broadcast_in_dim3A_66 : vector<512x1xf32> to vector<512x8192xf32>
    %eq3A_68 = arith.cmpf oeq, %select_n3A_63, %eq3A_67 : vector<512x8192xf32>
    %jit3A_69 = arith.constant 8.192000e+03 : f32
    %broadcast_in_dim3A_70 = vector.broadcast %jit3A_69 : f32 to vector<512x8192xf32>
    %select_n3A_71 = arith.select %eq3A_68, %convert_element_type3A, %broadcast_in_dim3A_70 : vector<512x8192xi1>, vector<512x8192xf32>
    %reduce_min3A_72 = arith.constant dense<0x7F800000> : vector<512xf32>
    %reduce_min3A_73 = vector.multi_reduction <minimumf>, %select_n3A_71, %reduce_min3A_72 [1] : vector<512x8192xf32> to vector<512xf32>
    %broadcast_in_dim3A_74 = vector.shape_cast %reduce_min3A_73 : vector<512xf32> to vector<512x1xf32>
    %concatenate3A = tpu.concatenate %broadcast_in_dim3A_26, %broadcast_in_dim3A_42, %broadcast_in_dim3A_58, %broadcast_in_dim3A_74 in 1 : vector<512x1xf32>, vector<512x1xf32>, vector<512x1xf32>, vector<512x1xf32> -> vector<512x4xf32>
    %convert_element_type3A_75 = arith.fptosi %concatenate3A : vector<512x4xf32> to vector<512x4xi32>
    %swap3A = arith.constant 0 : index
    %swap3A_76 = arith.constant 0 : index
    %swap3A_77 = arith.constant 0 : index
    %swap3A_78 = vector.load %arg4[%swap3A, %swap3A_76, %swap3A_77] : memref<1x512x4xi32, #tpu.memory_space<vmem>>, vector<1x512x4xi32>
    %swap3A_79 = vector.shape_cast %swap3A_78 : vector<1x512x4xi32> to vector<512x4xi32>
    %swap3A_80 = vector.shape_cast %convert_element_type3A_75 : vector<512x4xi32> to vector<1x512x4xi32>
    tpu.vector_store %arg4[%swap3A, %swap3A_76, %swap3A_77], %swap3A_80 {strides = array<i32>} : memref<1x512x4xi32, #tpu.memory_space<vmem>>, vector<1x512x4xi32>,
    return
  }
  func.func @transform_0(%arg0: i32, %arg1: i32) -> (i32, i32, i32) {
    %c0_i32 = arith.constant 0 : i32
    %c0_i32_0 = arith.constant 0 : i32
    return %arg0, %c0_i32, %arg1 : i32, i32, i32
  }
  func.func @transform_1(%arg0: i32, %arg1: i32) -> (i32, i32, i32) {
    %c0_i32 = arith.constant 0 : i32
    %c0_i32_0 = arith.constant 0 : i32
    %c0_i32_1 = arith.constant 0 : i32
    return %arg0, %c0_i32, %c0_i32_0 : i32, i32, i32
  }
  func.func @transform_2(%arg0: i32, %arg1: i32) -> (i32, i32, i32) {
    %c0_i32 = arith.constant 0 : i32
    %c0_i32_0 = arith.constant 0 : i32
    return %arg0, %arg1, %c0_i32 : i32, i32, i32
  }
}

</mosaic_0001>

<sc_bundles>
// kernel: kernel.4.cloned.1.call-start
scs
__scs_entry_jumppad:
0x0: {  	(pc) =	sbr.rel $0x88, $3  }
0x1: {  	(tag) =	ssettag $0x0;
	lr =	simm.s32 $0x1  }
0x2: {  	[smem:$0x3F9E] =	sst lr;
	_ =	strace $0xD0000000  }
0x3: {  	_ = 	snop  }
0x4: {  	_ = 	snop  }
0x5: {  	_ = 	snop  }
0x6: {  	_ = 	snop  }
0x7: {  	_ = 	snop  }
__scs_overlays_trampoline_lowered:
0x8: {  	[smem:$0x3FAD] =	sst s0  }
0x9: {  	[smem:$0x3FAE] =	sst s1  }
0xa: {  	[smem:$0x3FAF] =	sst s2  }
0xb: {  	[smem:$0x3FB0] =	sst s3  }
0xc: {  	[smem:$0x3FB1] =	sst s4  }
0xd: {  	[smem:$0x3FB2] =	sst s5  }
0xe: {  	[smem:$0x3FB3] =	sst s6  }
0xf: {  	[smem:$0x3FB4] =	sst s7  }
0x10: {  	[smem:$0x3FB5] =	sst s8  }
0x11: {  	[smem:$0x3FB6] =	sst s9;
	s0 =	simm.s32 @!p0 $0x0  }
0x12: {  	s1 =	sld [smem:$0x3F9C];
	s0 =	simm.s32 @p0 $0x1  }
0x13: {  	[smem:$0x3FB7] =	sst s0;
	s0 =	simm.s32 @!p1 $0x0  }
0x14: {  	s2 =	sld [smem:$0x3F9B];
	s0 =	simm.s32 @p1 $0x1  }
0x15: {  	[smem:$0x3FB8] =	sst s0;
	s0 =	simm.s32 @!p2 $0x0  }
0x16: {  	s3 =	sld [smem:$0x3FDB];
	s0 =	simm.s32 @p2 $0x1  }
0x17: {  	s4 =	simm.s32 $0x1BF5;
	[smem:$0x3FBA] =	sst s0  }
0x18: {  	s0 =	sld [smem:$0x3F9D];
	_ =	swait.ge [sflag:s4], $0x0  }
0x19: {  	s7 =	sld [smem:$0x3F9E]  }
0x1a: {  	s8 =	sadd.s32 $0xFFFFE003, lr  }
0x1b: {  	s9 =	sadd.s32 $0xFFFFFEF7, lr;
	s5 =	simm.s32 $0xFFFFFFFF;
	p2 =	slt.u32 s8, $0xFFFFF086  }
0x1c: {  	p1 =	slt.u32 s9, $0xF7A;
	s5 =	simm.s32 @!p2 $0x0  }
0x1d: {  	s5 =	simm.s32 @p1 $0x1;
	p0 =	seq.s32 s7, s2  }
0x1e: {  	s7 =	smul.u32 @!p0 $0xF7A, s2;
	p2 =	seq.s32 @!p0 s5, $0x0  }
0x1f: {  	s9 =	smul.u32 $0xF7A, s1;
	s8 =	simm.s32 @!p0 $0x1BF5;
	p2 =	por !p2, p0  }
0x20: {  	[sflag:s8] =	ssyncset.s32 @!p0 $0xFFFFF086;
	s6 =	sadd.s32 @!p0 s3, s7;
	s7 =	simm.s32 @!p0 $0x108  }
0x21: {  	s3 =	sadd.s32 s3, s9;
	s6 =	sadd.s32 @!p0 $0x88, s6;
	s7 =	simm.s32 @p2 $0x1082  }
0x22: {  	[simem:s7], [sflag:s8] =	dma.local @!p0 [hbm:s6], $0xF7A  }
0x23: {  	s9 =	sor.u32 $0xD0000000, s2;
	s6 =	simm.s32 $0x108;
	_ =	swait.ge @!p0 [sflag:s8], $0x0  }
0x24: {  	s3 =	sadd.s32 $0x88, s3;
	s6 =	simm.s32 @!p1 $0x1082;
	[sflag:s4] =	ssyncset.s32 $0xFFFFF086  }
0x25: {  	[simem:s6], [sflag:s4] =	dma.local [hbm:s3], $0xF7A  }
0x26: {  	[smem:$0x3F9E] =	sst s1;
	(tag) =	ssettag s2;
	_ =	strace s9  }
0x27: {  	s1 =	sld [smem:$0x3FAE]  }
0x28: {  	s2 =	sld [smem:$0x3FAF]  }
0x29: {  	s4 =	sld [smem:$0x3FB1]  }
0x2a: {  	p0 =	seq.s32 s5, $0x0;
	s5 =	sld [smem:$0x3FB2]  }
0x2b: {  	s6 =	sld [smem:$0x3FB3]  }
0x2c: {  	s7 =	sld [smem:$0x3FB4]  }
0x2d: {  	s3 =	simm.s32 $0x108;
	s8 =	sld [smem:$0x3FB5]  }
0x2e: {  	s3 =	simm.s32 @!p0 $0x1082;
	s9 =	sld [smem:$0x3FB6]  }
0x2f: {  	lr =	sadd.s32 s0, s3;
	s0 =	sld [smem:$0x3FAD]  }
0x30: {  	s3 =	sld [smem:$0x3FB0]  }
0x31: {  	[smem:$0x3FB9] =	sst s10  }
0x32: {  	s10 =	sld [smem:$0x3FB7];
	_ =	sdelay $0x3  }
0x33: {  	p0 =	seq.s32 s10, $0x1;
	s10 =	sld [smem:$0x3FB9];
	_ =	sdelay $0x3  }
0x34: {  	[smem:$0x3FB9] =	sst s10  }
0x35: {  	s10 =	sld [smem:$0x3FB8];
	_ =	sdelay $0x3  }
0x36: {  	p1 =	seq.s32 s10, $0x1;
	s10 =	sld [smem:$0x3FB9];
	_ =	sdelay $0x3  }
0x37: {  	[smem:$0x3FB9] =	sst s10  }
0x38: {  	s10 =	sld [smem:$0x3FBA]  }
0x39: {  	_ = 	snop;
	(pc) =	sbr.ind lr, $3  }
0x3a: {  	_ = 	snop  }
0x3b: {  	_ = 	snop  }
0x3c: {  	p2 =	seq.s32 s10, $0x1;
	s10 =	sld [smem:$0x3FB9]  }
0x3d: {  	_ =	shalt  }
0x3e: {  	_ =	shalt  }
0x3f: {  	_ =	shalt  }
0x40: {  	_ =	shalt  }
0x41: {  	_ =	shalt  }
0x42: {  	_ =	shalt  }
0x43: {  	_ =	shalt  }
0x44: {  	_ =	shalt  }
0x45: {  	_ =	shalt  }
0x46: {  	_ =	shalt  }
0x47: {  	_ =	shalt  }
0x48: {  	_ =	shalt  }
0x49: {  	_ =	shalt  }
0x4a: {  	_ =	shalt  }
0x4b: {  	_ =	shalt  }
0x4c: {  	_ =	shalt  }
0x4d: {  	_ =	shalt  }
0x4e: {  	_ =	shalt  }
0x4f: {  	_ =	shalt  }
0x50: {  	_ =	shalt  }
0x51: {  	_ =	shalt  }
0x52: {  	_ =	shalt  }
0x53: {  	_ =	shalt  }
0x54: {  	_ =	shalt  }
0x55: {  	_ =	shalt  }
0x56: {  	_ =	shalt  }
0x57: {  	_ =	shalt  }
0x58: {  	_ =	shalt  }
0x59: {  	_ =	shalt  }
0x5a: {  	_ =	shalt  }
0x5b: {  	_ =	shalt  }
0x5c: {  	_ =	shalt  }
0x5d: {  	_ =	shalt  }
0x5e: {  	_ =	shalt  }
0x5f: {  	_ =	shalt  }
0x60: {  	_ =	shalt  }
0x61: {  	_ =	shalt  }
0x62: {  	_ =	shalt  }
0x63: {  	_ =	shalt  }
0x64: {  	_ =	shalt  }
0x65: {  	_ =	shalt  }
0x66: {  	_ =	shalt  }
0x67: {  	_ =	shalt  }
0x68: {  	_ =	shalt  }
0x69: {  	_ =	shalt  }
0x6a: {  	_ =	shalt  }
0x6b: {  	_ =	shalt  }
0x6c: {  	_ =	shalt  }
0x6d: {  	_ =	shalt  }
0x6e: {  	_ =	shalt  }
0x6f: {  	_ =	shalt  }
0x70: {  	_ =	shalt  }
0x71: {  	_ =	shalt  }
0x72: {  	_ =	shalt  }
0x73: {  	_ =	shalt  }
0x74: {  	_ =	shalt  }
0x75: {  	_ =	shalt  }
0x76: {  	_ =	shalt  }
0x77: {  	_ =	shalt  }
0x78: {  	_ =	shalt  }
0x79: {  	_ =	shalt  }
0x7a: {  	_ =	shalt  }
0x7b: {  	_ =	shalt  }
0x7c: {  	_ =	shalt  }
0x7d: {  	_ =	shalt  }
0x7e: {  	_ =	shalt  }
0x7f: {  	_ =	shalt  }
0x80: {  	_ =	shalt  }
0x81: {  	_ =	shalt  }
0x82: {  	_ =	shalt  }
0x83: {  	_ =	shalt  }
0x84: {  	_ =	shalt  }
0x85: {  	_ =	shalt  }
0x86: {  	_ =	shalt  }
0x87: {  	_ =	shalt  }
.Lfunc_end0:
.L_simem_size_0:
called_computation_lowered:
.L_overlay_start_0:
0x88: {  	s2 =	sld [smem:$0x3FD9]  }
0x89: {  	s3 =	sld [smem:$0x3FFE];
	_ =	sdelay $0x1  }
0x8a: {  	s1 =	srdreg.scid  }
0x8b: {  	s0 =	sand.u32 $0x1, s1  }
0x8c: {  	s17 =	sshll.u32 s0, $0xA;
	s2 =	sadd.s32 s3, s2  }
0x8d: {  	s2 =	sadd.s32 s2, s17  }
0x8e: {  	[smem:$0x3FC5] =	sst s2  }
0x8f: {  	_ = 	snop  }
0x90: {  	s2 =	sld [smem:$0x3FD0];
	(tm) =	ssettm $0x1  }
0x91: {  	s18 =	sld [smem:$0x3FFB];
	_ =	sdelay $0x3  }
0x92: {  	_ =	strace s18  }
0x93: {  	s3 =	sld [smem:$0x3FFC];
	_ =	sdelay $0x3  }
0x94: {  	_ =	strace s3  }
0x95: {  	s3 =	sld [smem:$0x3FFD];
	_ =	sdelay $0x3  }
0x96: {  	_ =	strace s3  }
0x97: {  	_ =	strace $0x8FFFFFFF  }
0x98: {  	s19 =	sld [smem:$0x3FDB];
	_ =	sdelay $0x1  }
0x99: {  	s4 =	simm.s32 $_scs_section_size  }
0x9a: {  	s5 =	simm.s32 $_size__tile_overlayer_lowered;
	s6 =	simm.s32 $_tile_overlayer_lowered  }
0x9b: {  	s22 =	simm.s32 $0x1BFF;
	s21 =	sshll.u32 s6, $0x1;
	s3 =	sadd.s32 s4, s19  }
0x9c: {  	s7 =	simm.s32 $0x0;
	s20 =	sshll.u32 s5, $0x1;
	s5 =	sadd.s32 s21, s3  }
0x9d: {  	[timem:s7], [sflag:s22] =	dma.local [hbm:s5], s20  }
0x9e: {  	_ =	swait.ge [sflag:s22], s20  }
0x9f: {  	s4 =	ssub.s32 $0x0, s20;
	[sflag:s22] =	ssyncset.done $0x0  }
0xa0: {  	[sflag:s22] =	ssyncadd.s32 s4;
	_ =	sdelay $0x1  }
0xa1: {  	s23 =	simm.s32 $0x1B8B  }
0xa2: {  	_ =	swait.ge [sflag:s23], $0x1  }
0xa3: {  	[sflag:s23] =	ssyncset.done $0x0  }
0xa4: {  	s25 =	simm.s32 $0x1B8E;
	s24 =	sld [smem:$0x3FFE];
	[sflag:s23] =	ssyncadd.s32 $0xFFFFFFFF  }
0xa5: {  	s26 =	simm.s32 $execute0_lowered;
	[smem:$0x3FD2] =	sst s25  }
0xa6: {  	s5 =	sshll.u32 s26, $0x1;
	_ =	strace $0x80000046;
	[dreg:$0x1] =	wrdreg $0xFFFFFFFF  }
0xa7: {  	s28 =	simm.s32 $_size_execute0_lowered;
	s3 =	sadd.s32 s3, s5;
	[dreg:$0x0] =	wrdreg $0x0  }
0xa8: {  	s5 =	sshll.u32 s28, $0x1;
	[dreg:$0x2] =	wrdreg s3  }
0xa9: {  	[dreg:$0x3] =	wrdreg s5  }
0xaa: {  	[dreg:$0x4] =	wrdreg $0xC0  }
0xab: {  	_ =	task [dreg:s7], $0x5FFFF  }
0xac: {  	[dreg:$0x1] =	wrdreg $0xFFFFFFFF  }
0xad: {  	[dreg:$0x0] =	wrdreg $0x60  }
0xae: {  	[dreg:$0x2] =	wrdreg s2  }
0xaf: {  	[dreg:$0x3] =	wrdreg s24  }
0xb0: {  	[dreg:$0x4] =	wrdreg $0x9  }
0xb1: {  	_ =	task.clear_ibuf [dreg:s7], $0x5FFFF;
	_ =	strace $0x90000046  }
0xb2: {  	s29 =	simm.s32 $0x9;
	_ =	strace $0x80000048  }
0xb3: {  	_ =	swait.ge [sflag:s29], $0x1  }
0xb4: {  	[sflag:s29] =	ssyncadd.s32 $0xFFFFFFFF  }
0xb5: {  	_ =	strace $0x90000048  }
0xb6: {  	_ =	sfence  }
0xb7: {  	s30 =	sld [smem:$0x0];
	_ =	sdelay $0x2  }
0xb8: {  	s31 =	sshll.u32 s1, $0xD;
	s1 =	sshrl.u32 s1, $0x2  }
0xb9: {  	s3 =	sand.u32 $0x4000, s31;
	s1 =	sadd.s32 s1, s30  }
0xba: {  	s0 =	sor.u32 s3, s0;
	s1 =	sshll.u32 s1, $0x11  }
0xbb: {  	s0 =	sor.u32 s1, s0  }
0xbc: {  	s0 =	sadd.s32 $0x8F2B, s0  }
0xbd: {  	[sflag:s0] =	ssyncadd.remote.s32 $0x1  }
0xbe: {  	_ =	sfence.sel $0xFFFF  }
0xbf: {  	[dreg:$0x0] =	wrdreg $0xFFFFFFFF;
	(pc) =	sbr.abs _section_cstart, $3  }
0xc0: {  	[dreg:$0x1] =	wrdreg $0xFFFFFFFF  }
0xc1: {  	_ =	task.clear_ibuf [dreg:s7], $0x2FFFF;
	_ =	strace $0x9FFFFFFF  }
0xc2: {  	(tm) =	ssettm $0x7FFFFFFF  }
0xc3: {  	_ =	shalt  }
tec
execute0_lowered:
.L_overlay_start_1:
0x0: {  	(tag) =	ssettag $0x1  }
0x1: {  	s0 =	rddreg [dreg:$0x0]  }
0x2: {  	s1 =	rddreg [dreg:$0x1];
	s2 =	simm.s32 $0x0;
	s5 =	stileid.u32  }
0x3: {  	s3 =	srdreg.scid;
	s28 =	simm.s32 $0x2000;
	s29 =	simm.s32 $0x4000  }
0x4: {  	s30 =	simm.s32 $0x1;
	s31 =	simm.s32 $0x6000;
	[smem:$0x7FF] =	sst s2  }
0x5: {  	s2 =	sadd.s32 $0xA00, s1;
	s4 =	sshll.u32 s5, $0x1;
	s3 =	sand.u32 $0x1, s3  }
0x6: {  	s5 =	sshrl.u32 s5, $0x2;
	s1 =	sadd.s32 $0x48A00, s1;
	_ =	strace $0x80000047  }
0x7: {  	s4 =	sand.u32 $0x6, s4;
	s6 =	ssub.s32 $0x2, s3;
	s7 =	smul.u32 $0x90000, s5  }
0x8: {  	s5 =	sshll.u32 s5, $0x4;
	s3 =	sor.u32 s3, s4;
	s8 =	sshrl.u32 s6, $0x1  }
0x9: {  	s0 =	sadd.s32 s0, s5;
	p0 =	sgt.u32 s4, $0x3;
	s3 =	sshll.u32 s3, $0x7  }
0xa: {  	s21 =	ssub.s32 s6, s8;
	[dreg:$0x3] =	wrdreg s0;
	s3 =	sor.u32 s7, s3  }
0xb: {  	s15 =	sshrl.u32 s3, $0x3;
	s16 =	sadd.s32 $0x10000, s3;
	s18 =	sadd.s32 $0x20000, s3  }
0xc: {  	s20 =	sadd.s32 $0x30000, s3;
	s23 =	sadd.s32 $0x40000, s3;
	s12 =	sadd.s32 $0x50000, s3  }
0xd: {  	s14 =	sadd.s32 $0x60000, s3;
	s25 =	sadd.s32 $0x70000, s3;
	s3 =	sadd.s32 $0x80000, s3  }
0xe: {  	s17 =	sadd.s32 s2, s15;
	s5 =	sshrl.u32 s16, $0x3;
	s10 =	sshrl.u32 s18, $0x3  }
0xf: {  	s6 =	sadd.s32 s1, s15;
	s22 =	sshrl.u32 s20, $0x3;
	s16 =	sshrl.u32 s12, $0x3  }
0x10: {  	s24 =	sshrl.u32 s14, $0x3;
	s26 =	sshrl.u32 s3, $0x3;
	[dreg:$0x4] =	wrdreg s17  }
0x11: {  	s19 =	sadd.s32 s2, s5;
	s7 =	sadd.s32 s2, s10;
	s8 =	sadd.s32 s1, s5  }
0x12: {  	s9 =	sadd.s32 s2, s22;
	s10 =	sadd.s32 s1, s10;
	s5 =	sshrl.u32 s23, $0x3  }
0x13: {  	s12 =	sadd.s32 s1, s22;
	s13 =	sadd.s32 s2, s16;
	s15 =	sadd.s32 s2, s24  }
0x14: {  	s16 =	sadd.s32 s1, s16;
	s18 =	sadd.s32 s1, s24;
	s0 =	sadd.s32 s1, s26  }
0x15: {  	s22 =	smax.u32 s21, $0x1;
	s23 =	simm.s32 $0x80;
	s24 =	simm.s32 $0x4  }
.Ltmp0:
0x16: {  	s21 =	simm.s32 $0x0;
	[dreg:$0x5] =	wrdreg s19;
	(pc) =	sbr.rel .LBB2_1-.Ltmp0, $4  }
0x17: {  	s11 =	sadd.s32 s2, s5;
	s14 =	sadd.s32 s1, s5;
	s5 =	sshrl.u32 s25, $0x3  }
0x18: {  	s19 =	sadd.s32 s2, s26;
	[dreg:$0x6] =	wrdreg s0;
	s25 =	simm.s32 $0x5  }
0x19: {  	s26 =	simm.s32 $0x400;
	s0 =	simm.s32 $0x2;
	s17 =	sadd.s32 s2, s5  }
0x1a: {  	s20 =	sadd.s32 s1, s5;
	s1 =	simm.s32 $0x8000;
	s2 =	simm.s32 $0x3  }
.LBB2_20:
0x1b: {  	_ =	sdelay $0x1  }
0x1c: {  	v2 =	vld [tilespmem:s5+$0x0]  }
0x1d: {  	[tilespmem:s3+$0x6060] =	vst v1  }
0x1e: {  	v0 =	vld.idx.msk [tilespmem:v0+s28+$0x0], $0xffff;
	_ =	sdelay $0x3  }
0x1f: {  	v1 =	vld [tilespmem:s5+$0x10]  }
0x20: {  	[tilespmem:s3+$0x6070] =	vst v0  }
0x21: {  	v0 =	vld.idx.msk [tilespmem:v2+s28+$0x0], $0xffff;
	_ =	sdelay $0x3  }
0x22: {  	v58 =	vld [tilespmem:s5+$0x20]  }
0x23: {  	[tilespmem:s5+$0x6000] =	vst v0  }
0x24: {  	v1 =	vld.idx.msk [tilespmem:v1+s28+$0x0], $0xffff;
	_ =	sdelay $0x3  }
0x25: {  	v59 =	vld [tilespmem:s5+$0x30]  }
0x26: {  	[tilespmem:s5+$0x6010] =	vst v1  }
0x27: {  	v0 =	vld.idx.msk [tilespmem:v58+s28+$0x0], $0xffff;
	_ =	sdelay $0x3  }
0x28: {  	v60 =	vld [tilespmem:s5+$0x40]  }
0x29: {  	[tilespmem:s5+$0x6020] =	vst v0  }
0x2a: {  	v1 =	vld.idx.msk [tilespmem:v59+s28+$0x0], $0xffff;
	_ =	sdelay $0x3  }
0x2b: {  	v61 =	vld [tilespmem:s5+$0x50]  }
0x2c: {  	[tilespmem:s5+$0x6030] =	vst v1  }
0x2d: {  	v0 =	vld.idx.msk [tilespmem:v60+s28+$0x0], $0xffff;
	_ =	sdelay $0x3  }
0x2e: {  	v62 =	vld [tilespmem:s5+$0x60]  }
0x2f: {  	[tilespmem:s5+$0x6040] =	vst v0  }
0x30: {  	v1 =	vld.idx.msk [tilespmem:v61+s28+$0x0], $0xffff;
	_ =	sdelay $0x3  }
0x31: {  	v63 =	vld [tilespmem:s5+$0x70]  }
0x32: {  	[tilespmem:s5+$0x6050] =	vst v1  }
0x33: {  	v0 =	vld.idx.msk [tilespmem:v62+s28+$0x0], $0xffff;
	_ =	sdelay $0x4  }
0x34: {  	[tilespmem:s5+$0x6060] =	vst v0  }
0x35: {  	v0 =	vld.idx.msk [tilespmem:v63+s28+$0x0], $0xffff;
	_ =	sdelay $0x4  }
0x36: {  	s3 =	simm.s32 $0x3;
	[tilespmem:s5+$0x6070] =	vst v0  }
0x37: {  	_ =	swait.ge [sflag:s3], $0x2000  }
0x38: {  	[sflag:s3] =	ssyncset.done $0x0  }
0x39: {  	s4 =	rddreg [dreg:$0x6];
	[sflag:s3] =	ssyncadd.s32 $0xFFFFE000  }
0x3a: {  	[hbm4b:s4+s23] =	stream.strided.scatter [tilespmem:s31], [sflag:$0x3], $0x2000, s26, s23, $0x38;
	[tilespmem:$0xA000] =	vst v63  }
0x3b: {  	_ =	swait.ge [sflag:s24], $0x2000  }
0x3c: {  	[sflag:s24] =	ssyncset.done $0x0  }
0x3d: {  	[sflag:s24] =	ssyncadd.s32 $0xFFFFE000  }
.LBB2_21:
0x3e: {  	s21 =	sadd.s32 $0x1, s21  }
0x3f: {  	p1 =	sne.s32 s21, s22  }
.Ltmp1:
0x40: {  	_ = 	snop;
	(pc) =	sbr.rel @!p1 .LBB2_22-.Ltmp1, $4  }
0x41: {  	_ = 	snop  }
0x42: {  	_ =	swait.ge [sflag:s3], $0x2000  }
0x43: {  	[sflag:s3] =	ssyncset.done $0x0  }
0x44: {  	[sflag:s3] =	ssyncadd.s32 $0xFFFFE000  }
.LBB2_1:
0x45: {  	s3 =	simm.s32 $0x0;
	s4 =	rddreg [dreg:$0x3];
	s5 =	simm.s32 $0x200  }
0x46: {  	[tilespmem:s3], [sflag:$0x5] =	stream.strided.gather [hbm4b:s4+s23], $0x2000, s5, s23, $0x38;
	[tilespmem:$0xA000] =	vst v63  }
0x47: {  	_ =	swait.ge [sflag:s25], $0x2000  }
0x48: {  	[sflag:s25] =	ssyncset.done $0x0  }
0x49: {  	s4 =	rddreg [dreg:$0x4];
	[sflag:s25] =	ssyncadd.s32 $0xFFFFE000  }
0x4a: {  	[tilespmem:s28], [sflag:$0x1] =	stream.strided.gather [hbm4b:s4+s23], $0x2000, s26, s23, $0x38;
	[tilespmem:$0xA000] =	vst v63  }
0x4b: {  	s5 =	rddreg [dreg:$0x5]  }
0x4c: {  	[tilespmem:s29], [sflag:$0x2] =	stream.strided.gather [hbm4b:s5+s23], $0x2000, s26, s23, $0x38;
	[tilespmem:$0xA000] =	vst v63  }
0x4d: {  	_ =	swait.ge [sflag:s30], $0x2000  }
0x4e: {  	[sflag:s30] =	ssyncset.done $0x0  }
0x4f: {  	s3 =	simm.s32 $0x0;
	[sflag:s30] =	ssyncadd.s32 $0xFFFFE000  }
0x50: {  	v0 =	vld [tilespmem:s3+$0x0];
	_ =	sdelay $0x5  }
0x51: {  	v1 =	vld [tilespmem:s3+$0x10];
	_ =	sdelay $0x1  }
0x52: {  	v0 =	vld.idx.msk [tilespmem:v0+s28+$0x0], $0xffff;
	_ =	sdelay $0x4  }
0x53: {  	[tilespmem:s3+$0x6000] =	vst v0;
	v0 =	vld [tilespmem:s3+$0x20]  }
0x54: {  	v1 =	vld.idx.msk [tilespmem:v1+s28+$0x0], $0xffff;
	_ =	sdelay $0x4  }
0x55: {  	[tilespmem:s3+$0x6010] =	vst v1;
	v1 =	vld [tilespmem:s3+$0x30];
	_ =	sdelay $0x1  }
0x56: {  	v0 =	vld.idx.msk [tilespmem:v0+s28+$0x0], $0xffff;
	_ =	sdelay $0x4  }
0x57: {  	[tilespmem:s3+$0x6020] =	vst v0;
	v0 =	vld [tilespmem:s3+$0x40]  }
0x58: {  	v1 =	vld.idx.msk [tilespmem:v1+s28+$0x0], $0xffff;
	_ =	sdelay $0x4  }
0x59: {  	[tilespmem:s3+$0x6030] =	vst v1;
	v1 =	vld [tilespmem:s3+$0x50];
	_ =	sdelay $0x1  }
0x5a: {  	v0 =	vld.idx.msk [tilespmem:v0+s28+$0x0], $0xffff;
	_ =	sdelay $0x4  }
0x5b: {  	v2 =	vld [tilespmem:s3+$0x60];
	[tilespmem:s3+$0x6040] =	vst v0  }
0x5c: {  	v0 =	vld.idx.msk [tilespmem:v1+s28+$0x0], $0xffff;
	_ =	sdelay $0x4  }
0x5d: {  	[tilespmem:s3+$0x6050] =	vst v0;
	v0 =	vld [tilespmem:s3+$0x70];
	_ =	sdelay $0x1  }
0x5e: {  	v1 =	vld.idx.msk [tilespmem:v2+s28+$0x0], $0xffff;
	_ =	sdelay $0x3  }
0x5f: {  	s4 =	simm.s32 $0x400;
	s5 =	simm.s32 $0x80  }
.LBB2_2:
0x60: {  	p1 =	sne.s32 s4, $0x7E00;
	v2 =	vld [tilespmem:s5+$0x0];
	[tilespmem:s3+$0x6060] =	vst v1  }
0x61: {  	v0 =	vld.idx.msk [tilespmem:v0+s28+$0x0], $0xffff;
	_ =	sdelay $0x5  }
0x62: {  	v1 =	vld [tilespmem:s5+$0x10];
	[tilespmem:s3+$0x6070] =	vst v0;
	s3 =	smov.u32 s5  }
0x63: {  	v0 =	vld.idx.msk [tilespmem:v2+s28+$0x0], $0xffff;
	_ =	sdelay $0x5  }
0x64: {  	[tilespmem:s3+$0x6000] =	vst v0;
	v0 =	vld [tilespmem:s3+$0x20]  }
0x65: {  	v1 =	vld.idx.msk [tilespmem:v1+s28+$0x0], $0xffff;
	_ =	sdelay $0x5  }
0x66: {  	[tilespmem:s3+$0x6010] =	vst v1;
	v1 =	vld [tilespmem:s3+$0x30]  }
0x67: {  	v0 =	vld.idx.msk [tilespmem:v0+s28+$0x0], $0xffff;
	_ =	sdelay $0x5  }
0x68: {  	[tilespmem:s3+$0x6020] =	vst v0;
	v0 =	vld [tilespmem:s3+$0x40]  }
0x69: {  	v1 =	vld.idx.msk [tilespmem:v1+s28+$0x0], $0xffff;
	_ =	sdelay $0x5  }
0x6a: {  	[tilespmem:s3+$0x6030] =	vst v1;
	v1 =	vld [tilespmem:s3+$0x50]  }
0x6b: {  	v0 =	vld.idx.msk [tilespmem:v0+s28+$0x0], $0xffff;
	_ =	sdelay $0x5  }
0x6c: {  	[tilespmem:s3+$0x6040] =	vst v0;
	v2 =	vld [tilespmem:s3+$0x60]  }
0x6d: {  	v0 =	vld.idx.msk [tilespmem:v1+s28+$0x0], $0xffff;
	_ =	sdelay $0x5  }
0x6e: {  	[tilespmem:s3+$0x6050] =	vst v0;
	v0 =	vld [tilespmem:s3+$0x70]  }
0x6f: {  	v1 =	vld.idx.msk [tilespmem:v2+s28+$0x0], $0xffff  }
.Ltmp2:
0x70: {  	(pc) =	sbr.rel @p1 .LBB2_2-.Ltmp2, $2  }
0x71: {  	_ =	sdelay $0x2  }
0x72: {  	s5 =	sshra.s32 s4, $0x2;
	s4 =	sadd.s32 $0x200, s4  }
0x73: {  	_ =	sdelay $0x1  }
0x74: {  	v2 =	vld [tilespmem:s5+$0x0]  }
0x75: {  	[tilespmem:s3+$0x6060] =	vst v1  }
0x76: {  	v0 =	vld.idx.msk [tilespmem:v0+s28+$0x0], $0xffff;
	_ =	sdelay $0x3  }
0x77: {  	v1 =	vld [tilespmem:s5+$0x10]  }
0x78: {  	[tilespmem:s3+$0x6070] =	vst v0  }
0x79: {  	v0 =	vld.idx.msk [tilespmem:v2+s28+$0x0], $0xffff;
	_ =	sdelay $0x4  }
0x7a: {  	[tilespmem:s5+$0x6000] =	vst v0;
	v0 =	vld [tilespmem:s5+$0x20]  }
0x7b: {  	v1 =	vld.idx.msk [tilespmem:v1+s28+$0x0], $0xffff;
	_ =	sdelay $0x4  }
0x7c: {  	[tilespmem:s5+$0x6010] =	vst v1;
	v1 =	vld [tilespmem:s5+$0x30];
	_ =	sdelay $0x1  }
0x7d: {  	v0 =	vld.idx.msk [tilespmem:v0+s28+$0x0], $0xffff;
	_ =	sdelay $0x4  }
0x7e: {  	[tilespmem:s5+$0x6020] =	vst v0;
	v0 =	vld [tilespmem:s5+$0x40]  }
0x7f: {  	v1 =	vld.idx.msk [tilespmem:v1+s28+$0x0], $0xffff;
	_ =	sdelay $0x4  }
0x80: {  	[tilespmem:s5+$0x6030] =	vst v1;
	v1 =	vld [tilespmem:s5+$0x50];
	_ =	sdelay $0x1  }
0x81: {  	v0 =	vld.idx.msk [tilespmem:v0+s28+$0x0], $0xffff;
	_ =	sdelay $0x4  }
0x82: {  	[tilespmem:s5+$0x6040] =	vst v0;
	v0 =	vld [tilespmem:s5+$0x60]  }
0x83: {  	v1 =	vld.idx.msk [tilespmem:v1+s28+$0x0], $0xffff;
	_ =	sdelay $0x4  }
0x84: {  	[tilespmem:s5+$0x6050] =	vst v1;
	v1 =	vld [tilespmem:s5+$0x70];
	_ =	sdelay $0x1  }
0x85: {  	v0 =	vld.idx.msk [tilespmem:v0+s28+$0x0], $0xffff;
	_ =	sdelay $0x4  }
0x86: {  	[tilespmem:s5+$0x6060] =	vst v0  }
0x87: {  	v0 =	vld.idx.msk [tilespmem:v1+s28+$0x0], $0xffff;
	_ =	sdelay $0x4  }
0x88: {  	[tilespmem:s5+$0x6070] =	vst v0  }
0x89: {  	[hbm4b:s6+s23] =	stream.strided.scatter [tilespmem:s31], [sflag:$0x3], $0x2000, s26, s23, $0x38;
	[tilespmem:$0xA000] =	vst v63  }
0x8a: {  	_ = 	snop  }
0x8b: {  	[tilespmem:s28], [sflag:$0x1] =	stream.strided.gather [hbm4b:s7+s23], $0x2000, s26, s23, $0x38;
	[tilespmem:$0xA000] =	vst v63  }
0x8c: {  	_ =	swait.ge [sflag:s0], $0x2000  }
0x8d: {  	[sflag:s0] =	ssyncset.done $0x0  }
0x8e: {  	s3 =	simm.s32 $0x0;
	[sflag:s0] =	ssyncadd.s32 $0xFFFFE000  }
0x8f: {  	v0 =	vld [tilespmem:s3+$0x0];
	_ =	sdelay $0x5  }
0x90: {  	v1 =	vld [tilespmem:s3+$0x10];
	_ =	sdelay $0x1  }
0x91: {  	v0 =	vld.idx.msk [tilespmem:v0+s29+$0x0], $0xffff;
	_ =	sdelay $0x4  }
0x92: {  	[tilespmem:s3+$0x8000] =	vst v0;
	v0 =	vld [tilespmem:s3+$0x20]  }
0x93: {  	v1 =	vld.idx.msk [tilespmem:v1+s29+$0x0], $0xffff;
	_ =	sdelay $0x4  }
0x94: {  	[tilespmem:s3+$0x8010] =	vst v1;
	v1 =	vld [tilespmem:s3+$0x30];
	_ =	sdelay $0x1  }
0x95: {  	v0 =	vld.idx.msk [tilespmem:v0+s29+$0x0], $0xffff;
	_ =	sdelay $0x4  }
0x96: {  	[tilespmem:s3+$0x8020] =	vst v0;
	v0 =	vld [tilespmem:s3+$0x40]  }
0x97: {  	v1 =	vld.idx.msk [tilespmem:v1+s29+$0x0], $0xffff;
	_ =	sdelay $0x4  }
0x98: {  	[tilespmem:s3+$0x8030] =	vst v1;
	v1 =	vld [tilespmem:s3+$0x50];
	_ =	sdelay $0x1  }
0x99: {  	v0 =	vld.idx.msk [tilespmem:v0+s29+$0x0], $0xffff;
	_ =	sdelay $0x4  }
0x9a: {  	v2 =	vld [tilespmem:s3+$0x60];
	[tilespmem:s3+$0x8040] =	vst v0  }
0x9b: {  	v0 =	vld.idx.msk [tilespmem:v1+s29+$0x0], $0xffff;
	_ =	sdelay $0x4  }
0x9c: {  	[tilespmem:s3+$0x8050] =	vst v0;
	v0 =	vld [tilespmem:s3+$0x70];
	_ =	sdelay $0x1  }
0x9d: {  	v1 =	vld.idx.msk [tilespmem:v2+s29+$0x0], $0xffff;
	_ =	sdelay $0x3  }
0x9e: {  	s4 =	simm.s32 $0x400;
	s5 =	simm.s32 $0x80  }
.LBB2_4:
0x9f: {  	p1 =	sne.s32 s4, $0x7E00;
	v2 =	vld [tilespmem:s5+$0x0];
	[tilespmem:s3+$0x8060] =	vst v1  }
0xa0: {  	v0 =	vld.idx.msk [tilespmem:v0+s29+$0x0], $0xffff;
	_ =	sdelay $0x5  }
0xa1: {  	v1 =	vld [tilespmem:s5+$0x10];
	[tilespmem:s3+$0x8070] =	vst v0;
	s3 =	smov.u32 s5  }
0xa2: {  	v0 =	vld.idx.msk [tilespmem:v2+s29+$0x0], $0xffff;
	_ =	sdelay $0x5  }
0xa3: {  	[tilespmem:s3+$0x8000] =	vst v0;
	v0 =	vld [tilespmem:s3+$0x20]  }
0xa4: {  	v1 =	vld.idx.msk [tilespmem:v1+s29+$0x0], $0xffff;
	_ =	sdelay $0x5  }
0xa5: {  	[tilespmem:s3+$0x8010] =	vst v1;
	v1 =	vld [tilespmem:s3+$0x30]  }
0xa6: {  	v0 =	vld.idx.msk [tilespmem:v0+s29+$0x0], $0xffff;
	_ =	sdelay $0x5  }
0xa7: {  	[tilespmem:s3+$0x8020] =	vst v0;
	v0 =	vld [tilespmem:s3+$0x40]  }
0xa8: {  	v1 =	vld.idx.msk [tilespmem:v1+s29+$0x0], $0xffff;
	_ =	sdelay $0x5  }
0xa9: {  	[tilespmem:s3+$0x8030] =	vst v1;
	v1 =	vld [tilespmem:s3+$0x50]  }
0xaa: {  	v0 =	vld.idx.msk [tilespmem:v0+s29+$0x0], $0xffff;
	_ =	sdelay $0x5  }
0xab: {  	[tilespmem:s3+$0x8040] =	vst v0;
	v2 =	vld [tilespmem:s3+$0x60]  }
0xac: {  	v0 =	vld.idx.msk [tilespmem:v1+s29+$0x0], $0xffff;
	_ =	sdelay $0x5  }
0xad: {  	[tilespmem:s3+$0x8050] =	vst v0;
	v0 =	vld [tilespmem:s3+$0x70]  }
0xae: {  	v1 =	vld.idx.msk [tilespmem:v2+s29+$0x0], $0xffff  }
.Ltmp3:
0xaf: {  	(pc) =	sbr.rel @p1 .LBB2_4-.Ltmp3, $2  }
0xb0: {  	_ =	sdelay $0x2  }
0xb1: {  	s5 =	sshra.s32 s4, $0x2;
	s4 =	sadd.s32 $0x200, s4  }
0xb2: {  	_ =	sdelay $0x1  }
0xb3: {  	v2 =	vld [tilespmem:s5+$0x0]  }
0xb4: {  	[tilespmem:s3+$0x8060] =	vst v1  }
0xb5: {  	v0 =	vld.idx.msk [tilespmem:v0+s29+$0x0], $0xffff;
	_ =	sdelay $0x3  }
0xb6: {  	v1 =	vld [tilespmem:s5+$0x10]  }
0xb7: {  	[tilespmem:s3+$0x8070] =	vst v0  }
0xb8: {  	v0 =	vld.idx.msk [tilespmem:v2+s29+$0x0], $0xffff;
	_ =	sdelay $0x4  }
0xb9: {  	[tilespmem:s5+$0x8000] =	vst v0;
	v0 =	vld [tilespmem:s5+$0x20]  }
0xba: {  	v1 =	vld.idx.msk [tilespmem:v1+s29+$0x0], $0xffff;
	_ =	sdelay $0x4  }
0xbb: {  	[tilespmem:s5+$0x8010] =	vst v1;
	v1 =	vld [tilespmem:s5+$0x30];
	_ =	sdelay $0x1  }
0xbc: {  	v0 =	vld.idx.msk [tilespmem:v0+s29+$0x0], $0xffff;
	_ =	sdelay $0x4  }
0xbd: {  	[tilespmem:s5+$0x8020] =	vst v0;
	v0 =	vld [tilespmem:s5+$0x40]  }
0xbe: {  	v1 =	vld.idx.msk [tilespmem:v1+s29+$0x0], $0xffff;
	_ =	sdelay $0x4  }
0xbf: {  	[tilespmem:s5+$0x8030] =	vst v1;
	v1 =	vld [tilespmem:s5+$0x50];
	_ =	sdelay $0x1  }
0xc0: {  	v0 =	vld.idx.msk [tilespmem:v0+s29+$0x0], $0xffff;
	_ =	sdelay $0x4  }
0xc1: {  	[tilespmem:s5+$0x8040] =	vst v0;
	v0 =	vld [tilespmem:s5+$0x60]  }
0xc2: {  	v1 =	vld.idx.msk [tilespmem:v1+s29+$0x0], $0xffff;
	_ =	sdelay $0x4  }
0xc3: {  	[tilespmem:s5+$0x8050] =	vst v1;
	v1 =	vld [tilespmem:s5+$0x70];
	_ =	sdelay $0x1  }
0xc4: {  	v0 =	vld.idx.msk [tilespmem:v0+s29+$0x0], $0xffff;
	_ =	sdelay $0x4  }
0xc5: {  	[tilespmem:s5+$0x8060] =	vst v0  }
0xc6: {  	v0 =	vld.idx.msk [tilespmem:v1+s29+$0x0], $0xffff;
	_ =	sdelay $0x4  }
0xc7: {  	[tilespmem:s5+$0x8070] =	vst v0  }
0xc8: {  	[hbm4b:s8+s23] =	stream.strided.scatter [tilespmem:s1], [sflag:$0x4], $0x2000, s26, s23, $0x38;
	[tilespmem:$0xA000] =	vst v63  }
0xc9: {  	_ = 	snop  }
0xca: {  	[tilespmem:s29], [sflag:$0x2] =	stream.strided.gather [hbm4b:s9+s23], $0x2000, s26, s23, $0x38;
	[tilespmem:$0xA000] =	vst v63  }
0xcb: {  	_ =	swait.ge [sflag:s30], $0x2000  }
0xcc: {  	[sflag:s30] =	ssyncset.done $0x0  }
0xcd: {  	s3 =	simm.s32 $0x0;
	[sflag:s30] =	ssyncadd.s32 $0xFFFFE000  }
0xce: {  	v0 =	vld [tilespmem:s3+$0x0];
	_ =	sdelay $0x5  }
0xcf: {  	v1 =	vld [tilespmem:s3+$0x10];
	_ =	sdelay $0x1  }
0xd0: {  	v0 =	vld.idx.msk [tilespmem:v0+s28+$0x0], $0xffff;
	_ =	sdelay $0x4  }
0xd1: {  	[tilespmem:s3+$0x6000] =	vst v0;
	v0 =	vld [tilespmem:s3+$0x20]  }
0xd2: {  	v1 =	vld.idx.msk [tilespmem:v1+s28+$0x0], $0xffff;
	_ =	sdelay $0x4  }
0xd3: {  	[tilespmem:s3+$0x6010] =	vst v1;
	v1 =	vld [tilespmem:s3+$0x30];
	_ =	sdelay $0x1  }
0xd4: {  	v0 =	vld.idx.msk [tilespmem:v0+s28+$0x0], $0xffff;
	_ =	sdelay $0x4  }
0xd5: {  	[tilespmem:s3+$0x6020] =	vst v0;
	v0 =	vld [tilespmem:s3+$0x40]  }
0xd6: {  	v1 =	vld.idx.msk [tilespmem:v1+s28+$0x0], $0xffff;
	_ =	sdelay $0x4  }
0xd7: {  	[tilespmem:s3+$0x6030] =	vst v1;
	v1 =	vld [tilespmem:s3+$0x50];
	_ =	sdelay $0x1  }
0xd8: {  	v0 =	vld.idx.msk [tilespmem:v0+s28+$0x0], $0xffff;
	_ =	sdelay $0x4  }
0xd9: {  	v2 =	vld [tilespmem:s3+$0x60];
	[tilespmem:s3+$0x6040] =	vst v0  }
0xda: {  	v0 =	vld.idx.msk [tilespmem:v1+s28+$0x0], $0xffff;
	_ =	sdelay $0x4  }
0xdb: {  	[tilespmem:s3+$0x6050] =	vst v0;
	v0 =	vld [tilespmem:s3+$0x70];
	_ =	sdelay $0x1  }
0xdc: {  	v1 =	vld.idx.msk [tilespmem:v2+s28+$0x0], $0xffff;
	_ =	sdelay $0x3  }
0xdd: {  	s4 =	simm.s32 $0x400;
	s5 =	simm.s32 $0x80  }
.LBB2_6:
0xde: {  	p1 =	sne.s32 s4, $0x7E00;
	v2 =	vld [tilespmem:s5+$0x0];
	[tilespmem:s3+$0x6060] =	vst v1  }
0xdf: {  	v0 =	vld.idx.msk [tilespmem:v0+s28+$0x0], $0xffff;
	_ =	sdelay $0x5  }
0xe0: {  	v1 =	vld [tilespmem:s5+$0x10];
	[tilespmem:s3+$0x6070] =	vst v0;
	s3 =	smov.u32 s5  }
0xe1: {  	v0 =	vld.idx.msk [tilespmem:v2+s28+$0x0], $0xffff;
	_ =	sdelay $0x5  }
0xe2: {  	[tilespmem:s3+$0x6000] =	vst v0;
	v0 =	vld [tilespmem:s3+$0x20]  }
0xe3: {  	v1 =	vld.idx.msk [tilespmem:v1+s28+$0x0], $0xffff;
	_ =	sdelay $0x5  }
0xe4: {  	[tilespmem:s3+$0x6010] =	vst v1;
	v1 =	vld [tilespmem:s3+$0x30]  }
0xe5: {  	v0 =	vld.idx.msk [tilespmem:v0+s28+$0x0], $0xffff;
	_ =	sdelay $0x5  }
0xe6: {  	[tilespmem:s3+$0x6020] =	vst v0;
	v0 =	vld [tilespmem:s3+$0x40]  }
0xe7: {  	v1 =	vld.idx.msk [tilespmem:v1+s28+$0x0], $0xffff;
	_ =	sdelay $0x5  }
0xe8: {  	[tilespmem:s3+$0x6030] =	vst v1;
	v1 =	vld [tilespmem:s3+$0x50]  }
0xe9: {  	v0 =	vld.idx.msk [tilespmem:v0+s28+$0x0], $0xffff;
	_ =	sdelay $0x5  }
0xea: {  	[tilespmem:s3+$0x6040] =	vst v0;
	v2 =	vld [tilespmem:s3+$0x60]  }
0xeb: {  	v0 =	vld.idx.msk [tilespmem:v1+s28+$0x0], $0xffff;
	_ =	sdelay $0x5  }
0xec: {  	[tilespmem:s3+$0x6050] =	vst v0;
	v0 =	vld [tilespmem:s3+$0x70]  }
0xed: {  	v1 =	vld.idx.msk [tilespmem:v2+s28+$0x0], $0xffff  }
.Ltmp4:
0xee: {  	(pc) =	sbr.rel @p1 .LBB2_6-.Ltmp4, $2  }
0xef: {  	_ =	sdelay $0x2  }
0xf0: {  	s5 =	sshra.s32 s4, $0x2;
	s4 =	sadd.s32 $0x200, s4  }
0xf1: {  	_ =	sdelay $0x1  }
0xf2: {  	v2 =	vld [tilespmem:s5+$0x0]  }
0xf3: {  	[tilespmem:s3+$0x6060] =	vst v1  }
0xf4: {  	v0 =	vld.idx.msk [tilespmem:v0+s28+$0x0], $0xffff;
	_ =	sdelay $0x3  }
0xf5: {  	v1 =	vld [tilespmem:s5+$0x10]  }
0xf6: {  	[tilespmem:s3+$0x6070] =	vst v0  }
0xf7: {  	v0 =	vld.idx.msk [tilespmem:v2+s28+$0x0], $0xffff;
	_ =	sdelay $0x4  }
0xf8: {  	[tilespmem:s5+$0x6000] =	vst v0;
	v0 =	vld [tilespmem:s5+$0x20]  }
0xf9: {  	v1 =	vld.idx.msk [tilespmem:v1+s28+$0x0], $0xffff;
	_ =	sdelay $0x4  }
0xfa: {  	[tilespmem:s5+$0x6010] =	vst v1;
	v1 =	vld [tilespmem:s5+$0x30];
	_ =	sdelay $0x1  }
0xfb: {  	v0 =	vld.idx.msk [tilespmem:v0+s28+$0x0], $0xffff;
	_ =	sdelay $0x4  }
0xfc: {  	[tilespmem:s5+$0x6020] =	vst v0;
	v0 =	vld [tilespmem:s5+$0x40]  }
0xfd: {  	v1 =	vld.idx.msk [tilespmem:v1+s28+$0x0], $0xffff;
	_ =	sdelay $0x4  }
0xfe: {  	[tilespmem:s5+$0x6030] =	vst v1;
	v1 =	vld [tilespmem:s5+$0x50];
	_ =	sdelay $0x1  }
0xff: {  	v0 =	vld.idx.msk [tilespmem:v0+s28+$0x0], $0xffff;
	_ =	sdelay $0x4  }
0x100: {  	[tilespmem:s5+$0x6040] =	vst v0;
	v0 =	vld [tilespmem:s5+$0x60]  }
0x101: {  	v1 =	vld.idx.msk [tilespmem:v1+s28+$0x0], $0xffff;
	_ =	sdelay $0x4  }
0x102: {  	[tilespmem:s5+$0x6050] =	vst v1;
	v1 =	vld [tilespmem:s5+$0x70];
	_ =	sdelay $0x1  }
0x103: {  	v0 =	vld.idx.msk [tilespmem:v0+s28+$0x0], $0xffff;
	_ =	sdelay $0x4  }
0x104: {  	[tilespmem:s5+$0x6060] =	vst v0  }
0x105: {  	v0 =	vld.idx.msk [tilespmem:v1+s28+$0x0], $0xffff;
	_ =	sdelay $0x4  }
0x106: {  	[tilespmem:s5+$0x6070] =	vst v0  }
0x107: {  	_ =	swait.ge [sflag:s2], $0x2000  }
0x108: {  	[sflag:s2] =	ssyncset.done $0x0  }
0x109: {  	[sflag:s2] =	ssyncadd.s32 $0xFFFFE000  }
0x10a: {  	[hbm4b:s10+s23] =	stream.strided.scatter [tilespmem:s31], [sflag:$0x3], $0x2000, s26, s23, $0x38;
	[tilespmem:$0xA000] =	vst v63  }
0x10b: {  	_ = 	snop  }
0x10c: {  	[tilespmem:s28], [sflag:$0x1] =	stream.strided.gather [hbm4b:s11+s23], $0x2000, s26, s23, $0x38;
	[tilespmem:$0xA000] =	vst v63  }
0x10d: {  	_ =	swait.ge [sflag:s0], $0x2000  }
0x10e: {  	[sflag:s0] =	ssyncset.done $0x0  }
0x10f: {  	s3 =	simm.s32 $0x0;
	[sflag:s0] =	ssyncadd.s32 $0xFFFFE000  }
0x110: {  	v0 =	vld [tilespmem:s3+$0x0];
	_ =	sdelay $0x5  }
0x111: {  	v1 =	vld [tilespmem:s3+$0x10];
	_ =	sdelay $0x1  }
0x112: {  	v0 =	vld.idx.msk [tilespmem:v0+s29+$0x0], $0xffff;
	_ =	sdelay $0x4  }
0x113: {  	[tilespmem:s3+$0x8000] =	vst v0;
	v0 =	vld [tilespmem:s3+$0x20]  }
0x114: {  	v1 =	vld.idx.msk [tilespmem:v1+s29+$0x0], $0xffff;
	_ =	sdelay $0x4  }
0x115: {  	[tilespmem:s3+$0x8010] =	vst v1;
	v1 =	vld [tilespmem:s3+$0x30];
	_ =	sdelay $0x1  }
0x116: {  	v0 =	vld.idx.msk [tilespmem:v0+s29+$0x0], $0xffff;
	_ =	sdelay $0x4  }
0x117: {  	[tilespmem:s3+$0x8020] =	vst v0;
	v0 =	vld [tilespmem:s3+$0x40]  }
0x118: {  	v1 =	vld.idx.msk [tilespmem:v1+s29+$0x0], $0xffff;
	_ =	sdelay $0x4  }
0x119: {  	[tilespmem:s3+$0x8030] =	vst v1;
	v1 =	vld [tilespmem:s3+$0x50];
	_ =	sdelay $0x1  }
0x11a: {  	v0 =	vld.idx.msk [tilespmem:v0+s29+$0x0], $0xffff;
	_ =	sdelay $0x4  }
0x11b: {  	v2 =	vld [tilespmem:s3+$0x60];
	[tilespmem:s3+$0x8040] =	vst v0  }
0x11c: {  	v0 =	vld.idx.msk [tilespmem:v1+s29+$0x0], $0xffff;
	_ =	sdelay $0x4  }
0x11d: {  	[tilespmem:s3+$0x8050] =	vst v0;
	v0 =	vld [tilespmem:s3+$0x70];
	_ =	sdelay $0x1  }
0x11e: {  	v1 =	vld.idx.msk [tilespmem:v2+s29+$0x0], $0xffff;
	_ =	sdelay $0x3  }
0x11f: {  	s4 =	simm.s32 $0x400;
	s5 =	simm.s32 $0x80  }
.LBB2_8:
0x120: {  	p1 =	sne.s32 s4, $0x7E00;
	v2 =	vld [tilespmem:s5+$0x0];
	[tilespmem:s3+$0x8060] =	vst v1  }
0x121: {  	v0 =	vld.idx.msk [tilespmem:v0+s29+$0x0], $0xffff;
	_ =	sdelay $0x5  }
0x122: {  	v1 =	vld [tilespmem:s5+$0x10];
	[tilespmem:s3+$0x8070] =	vst v0;
	s3 =	smov.u32 s5  }
0x123: {  	v0 =	vld.idx.msk [tilespmem:v2+s29+$0x0], $0xffff;
	_ =	sdelay $0x5  }
0x124: {  	[tilespmem:s3+$0x8000] =	vst v0;
	v0 =	vld [tilespmem:s3+$0x20]  }
0x125: {  	v1 =	vld.idx.msk [tilespmem:v1+s29+$0x0], $0xffff;
	_ =	sdelay $0x5  }
0x126: {  	[tilespmem:s3+$0x8010] =	vst v1;
	v1 =	vld [tilespmem:s3+$0x30]  }
0x127: {  	v0 =	vld.idx.msk [tilespmem:v0+s29+$0x0], $0xffff;
	_ =	sdelay $0x5  }
0x128: {  	[tilespmem:s3+$0x8020] =	vst v0;
	v0 =	vld [tilespmem:s3+$0x40]  }
0x129: {  	v1 =	vld.idx.msk [tilespmem:v1+s29+$0x0], $0xffff;
	_ =	sdelay $0x5  }
0x12a: {  	[tilespmem:s3+$0x8030] =	vst v1;
	v1 =	vld [tilespmem:s3+$0x50]  }
0x12b: {  	v0 =	vld.idx.msk [tilespmem:v0+s29+$0x0], $0xffff;
	_ =	sdelay $0x5  }
0x12c: {  	[tilespmem:s3+$0x8040] =	vst v0;
	v2 =	vld [tilespmem:s3+$0x60]  }
0x12d: {  	v0 =	vld.idx.msk [tilespmem:v1+s29+$0x0], $0xffff;
	_ =	sdelay $0x5  }
0x12e: {  	[tilespmem:s3+$0x8050] =	vst v0;
	v0 =	vld [tilespmem:s3+$0x70]  }
0x12f: {  	v1 =	vld.idx.msk [tilespmem:v2+s29+$0x0], $0xffff  }
.Ltmp5:
0x130: {  	(pc) =	sbr.rel @p1 .LBB2_8-.Ltmp5, $2  }
0x131: {  	_ =	sdelay $0x2  }
0x132: {  	s5 =	sshra.s32 s4, $0x2;
	s4 =	sadd.s32 $0x200, s4  }
0x133: {  	_ =	sdelay $0x1  }
0x134: {  	v2 =	vld [tilespmem:s5+$0x0]  }
0x135: {  	[tilespmem:s3+$0x8060] =	vst v1  }
0x136: {  	v0 =	vld.idx.msk [tilespmem:v0+s29+$0x0], $0xffff;
	_ =	sdelay $0x3  }
0x137: {  	v1 =	vld [tilespmem:s5+$0x10]  }
0x138: {  	[tilespmem:s3+$0x8070] =	vst v0  }
0x139: {  	v0 =	vld.idx.msk [tilespmem:v2+s29+$0x0], $0xffff;
	_ =	sdelay $0x4  }
0x13a: {  	[tilespmem:s5+$0x8000] =	vst v0;
	v0 =	vld [tilespmem:s5+$0x20]  }
0x13b: {  	v1 =	vld.idx.msk [tilespmem:v1+s29+$0x0], $0xffff;
	_ =	sdelay $0x4  }
0x13c: {  	[tilespmem:s5+$0x8010] =	vst v1;
	v1 =	vld [tilespmem:s5+$0x30];
	_ =	sdelay $0x1  }
0x13d: {  	v0 =	vld.idx.msk [tilespmem:v0+s29+$0x0], $0xffff;
	_ =	sdelay $0x4  }
0x13e: {  	[tilespmem:s5+$0x8020] =	vst v0;
	v0 =	vld [tilespmem:s5+$0x40]  }
0x13f: {  	v1 =	vld.idx.msk [tilespmem:v1+s29+$0x0], $0xffff;
	_ =	sdelay $0x4  }
0x140: {  	[tilespmem:s5+$0x8030] =	vst v1;
	v1 =	vld [tilespmem:s5+$0x50];
	_ =	sdelay $0x1  }
0x141: {  	v0 =	vld.idx.msk [tilespmem:v0+s29+$0x0], $0xffff;
	_ =	sdelay $0x4  }
0x142: {  	[tilespmem:s5+$0x8040] =	vst v0;
	v0 =	vld [tilespmem:s5+$0x60]  }
0x143: {  	v1 =	vld.idx.msk [tilespmem:v1+s29+$0x0], $0xffff;
	_ =	sdelay $0x4  }
0x144: {  	[tilespmem:s5+$0x8050] =	vst v1;
	v1 =	vld [tilespmem:s5+$0x70];
	_ =	sdelay $0x1  }
0x145: {  	v0 =	vld.idx.msk [tilespmem:v0+s29+$0x0], $0xffff;
	_ =	sdelay $0x4  }
0x146: {  	[tilespmem:s5+$0x8060] =	vst v0  }
0x147: {  	v0 =	vld.idx.msk [tilespmem:v1+s29+$0x0], $0xffff;
	_ =	sdelay $0x4  }
0x148: {  	[tilespmem:s5+$0x8070] =	vst v0  }
0x149: {  	_ =	swait.ge [sflag:s24], $0x2000  }
0x14a: {  	[sflag:s24] =	ssyncset.done $0x0  }
0x14b: {  	[sflag:s24] =	ssyncadd.s32 $0xFFFFE000  }
0x14c: {  	[hbm4b:s12+s23] =	stream.strided.scatter [tilespmem:s1], [sflag:$0x4], $0x2000, s26, s23, $0x38;
	[tilespmem:$0xA000] =	vst v63  }
0x14d: {  	_ = 	snop  }
0x14e: {  	[tilespmem:s29], [sflag:$0x2] =	stream.strided.gather [hbm4b:s13+s23], $0x2000, s26, s23, $0x38;
	[tilespmem:$0xA000] =	vst v63  }
0x14f: {  	_ =	swait.ge [sflag:s30], $0x2000  }
0x150: {  	[sflag:s30] =	ssyncset.done $0x0  }
0x151: {  	s3 =	simm.s32 $0x0;
	[sflag:s30] =	ssyncadd.s32 $0xFFFFE000  }
0x152: {  	v0 =	vld [tilespmem:s3+$0x0];
	_ =	sdelay $0x5  }
0x153: {  	v1 =	vld [tilespmem:s3+$0x10];
	_ =	sdelay $0x1  }
0x154: {  	v0 =	vld.idx.msk [tilespmem:v0+s28+$0x0], $0xffff;
	_ =	sdelay $0x4  }
0x155: {  	[tilespmem:s3+$0x6000] =	vst v0;
	v0 =	vld [tilespmem:s3+$0x20]  }
0x156: {  	v1 =	vld.idx.msk [tilespmem:v1+s28+$0x0], $0xffff;
	_ =	sdelay $0x4  }
0x157: {  	[tilespmem:s3+$0x6010] =	vst v1;
	v1 =	vld [tilespmem:s3+$0x30];
	_ =	sdelay $0x1  }
0x158: {  	v0 =	vld.idx.msk [tilespmem:v0+s28+$0x0], $0xffff;
	_ =	sdelay $0x4  }
0x159: {  	[tilespmem:s3+$0x6020] =	vst v0;
	v0 =	vld [tilespmem:s3+$0x40]  }
0x15a: {  	v1 =	vld.idx.msk [tilespmem:v1+s28+$0x0], $0xffff;
	_ =	sdelay $0x4  }
0x15b: {  	[tilespmem:s3+$0x6030] =	vst v1;
	v1 =	vld [tilespmem:s3+$0x50];
	_ =	sdelay $0x1  }
0x15c: {  	v0 =	vld.idx.msk [tilespmem:v0+s28+$0x0], $0xffff;
	_ =	sdelay $0x4  }
0x15d: {  	v2 =	vld [tilespmem:s3+$0x60];
	[tilespmem:s3+$0x6040] =	vst v0  }
0x15e: {  	v0 =	vld.idx.msk [tilespmem:v1+s28+$0x0], $0xffff;
	_ =	sdelay $0x4  }
0x15f: {  	[tilespmem:s3+$0x6050] =	vst v0;
	v0 =	vld [tilespmem:s3+$0x70];
	_ =	sdelay $0x1  }
0x160: {  	v1 =	vld.idx.msk [tilespmem:v2+s28+$0x0], $0xffff;
	_ =	sdelay $0x3  }
0x161: {  	s4 =	simm.s32 $0x400;
	s5 =	simm.s32 $0x80  }
.LBB2_10:
0x162: {  	p1 =	sne.s32 s4, $0x7E00;
	v2 =	vld [tilespmem:s5+$0x0];
	[tilespmem:s3+$0x6060] =	vst v1  }
0x163: {  	v0 =	vld.idx.msk [tilespmem:v0+s28+$0x0], $0xffff;
	_ =	sdelay $0x5  }
0x164: {  	v1 =	vld [tilespmem:s5+$0x10];
	[tilespmem:s3+$0x6070] =	vst v0;
	s3 =	smov.u32 s5  }
0x165: {  	v0 =	vld.idx.msk [tilespmem:v2+s28+$0x0], $0xffff;
	_ =	sdelay $0x5  }
0x166: {  	[tilespmem:s3+$0x6000] =	vst v0;
	v0 =	vld [tilespmem:s3+$0x20]  }
0x167: {  	v1 =	vld.idx.msk [tilespmem:v1+s28+$0x0], $0xffff;
	_ =	sdelay $0x5  }
0x168: {  	[tilespmem:s3+$0x6010] =	vst v1;
	v1 =	vld [tilespmem:s3+$0x30]  }
0x169: {  	v0 =	vld.idx.msk [tilespmem:v0+s28+$0x0], $0xffff;
	_ =	sdelay $0x5  }
0x16a: {  	[tilespmem:s3+$0x6020] =	vst v0;
	v0 =	vld [tilespmem:s3+$0x40]  }
0x16b: {  	v1 =	vld.idx.msk [tilespmem:v1+s28+$0x0], $0xffff;
	_ =	sdelay $0x5  }
0x16c: {  	[tilespmem:s3+$0x6030] =	vst v1;
	v1 =	vld [tilespmem:s3+$0x50]  }
0x16d: {  	v0 =	vld.idx.msk [tilespmem:v0+s28+$0x0], $0xffff;
	_ =	sdelay $0x5  }
0x16e: {  	[tilespmem:s3+$0x6040] =	vst v0;
	v2 =	vld [tilespmem:s3+$0x60]  }
0x16f: {  	v0 =	vld.idx.msk [tilespmem:v1+s28+$0x0], $0xffff;
	_ =	sdelay $0x5  }
0x170: {  	[tilespmem:s3+$0x6050] =	vst v0;
	v0 =	vld [tilespmem:s3+$0x70]  }
0x171: {  	v1 =	vld.idx.msk [tilespmem:v2+s28+$0x0], $0xffff  }
.Ltmp6:
0x172: {  	(pc) =	sbr.rel @p1 .LBB2_10-.Ltmp6, $2  }
0x173: {  	_ =	sdelay $0x2  }
0x174: {  	s5 =	sshra.s32 s4, $0x2;
	s4 =	sadd.s32 $0x200, s4  }
0x175: {  	_ =	sdelay $0x1  }
0x176: {  	v2 =	vld [tilespmem:s5+$0x0]  }
0x177: {  	[tilespmem:s3+$0x6060] =	vst v1  }
0x178: {  	v0 =	vld.idx.msk [tilespmem:v0+s28+$0x0], $0xffff;
	_ =	sdelay $0x3  }
0x179: {  	v1 =	vld [tilespmem:s5+$0x10]  }
0x17a: {  	[tilespmem:s3+$0x6070] =	vst v0  }
0x17b: {  	v0 =	vld.idx.msk [tilespmem:v2+s28+$0x0], $0xffff;
	_ =	sdelay $0x4  }
0x17c: {  	[tilespmem:s5+$0x6000] =	vst v0;
	v0 =	vld [tilespmem:s5+$0x20]  }
0x17d: {  	v1 =	vld.idx.msk [tilespmem:v1+s28+$0x0], $0xffff;
	_ =	sdelay $0x4  }
0x17e: {  	[tilespmem:s5+$0x6010] =	vst v1;
	v1 =	vld [tilespmem:s5+$0x30];
	_ =	sdelay $0x1  }
0x17f: {  	v0 =	vld.idx.msk [tilespmem:v0+s28+$0x0], $0xffff;
	_ =	sdelay $0x4  }
0x180: {  	[tilespmem:s5+$0x6020] =	vst v0;
	v0 =	vld [tilespmem:s5+$0x40]  }
0x181: {  	v1 =	vld.idx.msk [tilespmem:v1+s28+$0x0], $0xffff;
	_ =	sdelay $0x4  }
0x182: {  	[tilespmem:s5+$0x6030] =	vst v1;
	v1 =	vld [tilespmem:s5+$0x50];
	_ =	sdelay $0x1  }
0x183: {  	v0 =	vld.idx.msk [tilespmem:v0+s28+$0x0], $0xffff;
	_ =	sdelay $0x4  }
0x184: {  	[tilespmem:s5+$0x6040] =	vst v0;
	v0 =	vld [tilespmem:s5+$0x60]  }
0x185: {  	v1 =	vld.idx.msk [tilespmem:v1+s28+$0x0], $0xffff;
	_ =	sdelay $0x4  }
0x186: {  	[tilespmem:s5+$0x6050] =	vst v1;
	v1 =	vld [tilespmem:s5+$0x70];
	_ =	sdelay $0x1  }
0x187: {  	v0 =	vld.idx.msk [tilespmem:v0+s28+$0x0], $0xffff;
	_ =	sdelay $0x4  }
0x188: {  	[tilespmem:s5+$0x6060] =	vst v0  }
0x189: {  	v0 =	vld.idx.msk [tilespmem:v1+s28+$0x0], $0xffff;
	_ =	sdelay $0x4  }
0x18a: {  	[tilespmem:s5+$0x6070] =	vst v0  }
0x18b: {  	_ =	swait.ge [sflag:s2], $0x2000  }
0x18c: {  	[sflag:s2] =	ssyncset.done $0x0  }
0x18d: {  	[sflag:s2] =	ssyncadd.s32 $0xFFFFE000  }
0x18e: {  	[hbm4b:s14+s23] =	stream.strided.scatter [tilespmem:s31], [sflag:$0x3], $0x2000, s26, s23, $0x38;
	[tilespmem:$0xA000] =	vst v63  }
0x18f: {  	_ = 	snop  }
0x190: {  	[tilespmem:s28], [sflag:$0x1] =	stream.strided.gather [hbm4b:s15+s23], $0x2000, s26, s23, $0x38;
	[tilespmem:$0xA000] =	vst v63  }
0x191: {  	_ =	swait.ge [sflag:s0], $0x2000  }
0x192: {  	[sflag:s0] =	ssyncset.done $0x0  }
0x193: {  	s3 =	simm.s32 $0x0;
	[sflag:s0] =	ssyncadd.s32 $0xFFFFE000  }
0x194: {  	v0 =	vld [tilespmem:s3+$0x0];
	_ =	sdelay $0x5  }
0x195: {  	v1 =	vld [tilespmem:s3+$0x10];
	_ =	sdelay $0x1  }
0x196: {  	v0 =	vld.idx.msk [tilespmem:v0+s29+$0x0], $0xffff;
	_ =	sdelay $0x4  }
0x197: {  	[tilespmem:s3+$0x8000] =	vst v0;
	v0 =	vld [tilespmem:s3+$0x20]  }
0x198: {  	v1 =	vld.idx.msk [tilespmem:v1+s29+$0x0], $0xffff;
	_ =	sdelay $0x4  }
0x199: {  	[tilespmem:s3+$0x8010] =	vst v1;
	v1 =	vld [tilespmem:s3+$0x30];
	_ =	sdelay $0x1  }
0x19a: {  	v0 =	vld.idx.msk [tilespmem:v0+s29+$0x0], $0xffff;
	_ =	sdelay $0x4  }
0x19b: {  	[tilespmem:s3+$0x8020] =	vst v0;
	v0 =	vld [tilespmem:s3+$0x40]  }
0x19c: {  	v1 =	vld.idx.msk [tilespmem:v1+s29+$0x0], $0xffff;
	_ =	sdelay $0x4  }
0x19d: {  	[tilespmem:s3+$0x8030] =	vst v1;
	v1 =	vld [tilespmem:s3+$0x50];
	_ =	sdelay $0x1  }
0x19e: {  	v0 =	vld.idx.msk [tilespmem:v0+s29+$0x0], $0xffff;
	_ =	sdelay $0x4  }
0x19f: {  	v2 =	vld [tilespmem:s3+$0x60];
	[tilespmem:s3+$0x8040] =	vst v0  }
0x1a0: {  	v0 =	vld.idx.msk [tilespmem:v1+s29+$0x0], $0xffff;
	_ =	sdelay $0x4  }
0x1a1: {  	[tilespmem:s3+$0x8050] =	vst v0;
	v0 =	vld [tilespmem:s3+$0x70];
	_ =	sdelay $0x1  }
0x1a2: {  	v1 =	vld.idx.msk [tilespmem:v2+s29+$0x0], $0xffff;
	_ =	sdelay $0x3  }
0x1a3: {  	s4 =	simm.s32 $0x400;
	s5 =	simm.s32 $0x80  }
.LBB2_12:
0x1a4: {  	p1 =	sne.s32 s4, $0x7E00;
	v2 =	vld [tilespmem:s5+$0x0];
	[tilespmem:s3+$0x8060] =	vst v1  }
0x1a5: {  	v0 =	vld.idx.msk [tilespmem:v0+s29+$0x0], $0xffff;
	_ =	sdelay $0x5  }
0x1a6: {  	v1 =	vld [tilespmem:s5+$0x10];
	[tilespmem:s3+$0x8070] =	vst v0;
	s3 =	smov.u32 s5  }
0x1a7: {  	v0 =	vld.idx.msk [tilespmem:v2+s29+$0x0], $0xffff;
	_ =	sdelay $0x5  }
0x1a8: {  	[tilespmem:s3+$0x8000] =	vst v0;
	v0 =	vld [tilespmem:s3+$0x20]  }
0x1a9: {  	v1 =	vld.idx.msk [tilespmem:v1+s29+$0x0], $0xffff;
	_ =	sdelay $0x5  }
0x1aa: {  	[tilespmem:s3+$0x8010] =	vst v1;
	v1 =	vld [tilespmem:s3+$0x30]  }
0x1ab: {  	v0 =	vld.idx.msk [tilespmem:v0+s29+$0x0], $0xffff;
	_ =	sdelay $0x5  }
0x1ac: {  	[tilespmem:s3+$0x8020] =	vst v0;
	v0 =	vld [tilespmem:s3+$0x40]  }
0x1ad: {  	v1 =	vld.idx.msk [tilespmem:v1+s29+$0x0], $0xffff;
	_ =	sdelay $0x5  }
0x1ae: {  	[tilespmem:s3+$0x8030] =	vst v1;
	v1 =	vld [tilespmem:s3+$0x50]  }
0x1af: {  	v0 =	vld.idx.msk [tilespmem:v0+s29+$0x0], $0xffff;
	_ =	sdelay $0x5  }
0x1b0: {  	[tilespmem:s3+$0x8040] =	vst v0;
	v2 =	vld [tilespmem:s3+$0x60]  }
0x1b1: {  	v0 =	vld.idx.msk [tilespmem:v1+s29+$0x0], $0xffff;
	_ =	sdelay $0x5  }
0x1b2: {  	[tilespmem:s3+$0x8050] =	vst v0;
	v0 =	vld [tilespmem:s3+$0x70]  }
0x1b3: {  	v1 =	vld.idx.msk [tilespmem:v2+s29+$0x0], $0xffff  }
.Ltmp7:
0x1b4: {  	(pc) =	sbr.rel @p1 .LBB2_12-.Ltmp7, $2  }
0x1b5: {  	_ =	sdelay $0x2  }
0x1b6: {  	s5 =	sshra.s32 s4, $0x2;
	s4 =	sadd.s32 $0x200, s4  }
0x1b7: {  	_ =	sdelay $0x1  }
0x1b8: {  	v2 =	vld [tilespmem:s5+$0x0]  }
0x1b9: {  	[tilespmem:s3+$0x8060] =	vst v1  }
0x1ba: {  	v0 =	vld.idx.msk [tilespmem:v0+s29+$0x0], $0xffff;
	_ =	sdelay $0x3  }
0x1bb: {  	v1 =	vld [tilespmem:s5+$0x10]  }
0x1bc: {  	[tilespmem:s3+$0x8070] =	vst v0  }
0x1bd: {  	v0 =	vld.idx.msk [tilespmem:v2+s29+$0x0], $0xffff;
	_ =	sdelay $0x4  }
0x1be: {  	[tilespmem:s5+$0x8000] =	vst v0;
	v0 =	vld [tilespmem:s5+$0x20]  }
0x1bf: {  	v1 =	vld.idx.msk [tilespmem:v1+s29+$0x0], $0xffff;
	_ =	sdelay $0x4  }
0x1c0: {  	[tilespmem:s5+$0x8010] =	vst v1;
	v1 =	vld [tilespmem:s5+$0x30];
	_ =	sdelay $0x1  }
0x1c1: {  	v0 =	vld.idx.msk [tilespmem:v0+s29+$0x0], $0xffff;
	_ =	sdelay $0x4  }
0x1c2: {  	[tilespmem:s5+$0x8020] =	vst v0;
	v0 =	vld [tilespmem:s5+$0x40]  }
0x1c3: {  	v1 =	vld.idx.msk [tilespmem:v1+s29+$0x0], $0xffff;
	_ =	sdelay $0x4  }
0x1c4: {  	[tilespmem:s5+$0x8030] =	vst v1;
	v1 =	vld [tilespmem:s5+$0x50];
	_ =	sdelay $0x1  }
0x1c5: {  	v0 =	vld.idx.msk [tilespmem:v0+s29+$0x0], $0xffff;
	_ =	sdelay $0x4  }
0x1c6: {  	[tilespmem:s5+$0x8040] =	vst v0;
	v0 =	vld [tilespmem:s5+$0x60]  }
0x1c7: {  	v1 =	vld.idx.msk [tilespmem:v1+s29+$0x0], $0xffff;
	_ =	sdelay $0x4  }
0x1c8: {  	[tilespmem:s5+$0x8050] =	vst v1;
	v1 =	vld [tilespmem:s5+$0x70];
	_ =	sdelay $0x1  }
0x1c9: {  	v0 =	vld.idx.msk [tilespmem:v0+s29+$0x0], $0xffff;
	_ =	sdelay $0x4  }
0x1ca: {  	[tilespmem:s5+$0x8060] =	vst v0  }
0x1cb: {  	v0 =	vld.idx.msk [tilespmem:v1+s29+$0x0], $0xffff;
	_ =	sdelay $0x4  }
0x1cc: {  	[tilespmem:s5+$0x8070] =	vst v0  }
0x1cd: {  	_ =	swait.ge [sflag:s24], $0x2000  }
0x1ce: {  	[sflag:s24] =	ssyncset.done $0x0  }
0x1cf: {  	[sflag:s24] =	ssyncadd.s32 $0xFFFFE000  }
0x1d0: {  	[hbm4b:s16+s23] =	stream.strided.scatter [tilespmem:s1], [sflag:$0x4], $0x2000, s26, s23, $0x38;
	[tilespmem:$0xA000] =	vst v63  }
0x1d1: {  	_ = 	snop  }
0x1d2: {  	[tilespmem:s29], [sflag:$0x2] =	stream.strided.gather [hbm4b:s17+s23], $0x2000, s26, s23, $0x38;
	[tilespmem:$0xA000] =	vst v63  }
0x1d3: {  	_ =	swait.ge [sflag:s30], $0x2000  }
0x1d4: {  	[sflag:s30] =	ssyncset.done $0x0  }
0x1d5: {  	s3 =	simm.s32 $0x0;
	[sflag:s30] =	ssyncadd.s32 $0xFFFFE000  }
0x1d6: {  	v0 =	vld [tilespmem:s3+$0x0];
	_ =	sdelay $0x5  }
0x1d7: {  	v1 =	vld [tilespmem:s3+$0x10];
	_ =	sdelay $0x1  }
0x1d8: {  	v0 =	vld.idx.msk [tilespmem:v0+s28+$0x0], $0xffff;
	_ =	sdelay $0x4  }
0x1d9: {  	[tilespmem:s3+$0x6000] =	vst v0;
	v0 =	vld [tilespmem:s3+$0x20]  }
0x1da: {  	v1 =	vld.idx.msk [tilespmem:v1+s28+$0x0], $0xffff;
	_ =	sdelay $0x4  }
0x1db: {  	[tilespmem:s3+$0x6010] =	vst v1;
	v1 =	vld [tilespmem:s3+$0x30];
	_ =	sdelay $0x1  }
0x1dc: {  	v0 =	vld.idx.msk [tilespmem:v0+s28+$0x0], $0xffff;
	_ =	sdelay $0x4  }
0x1dd: {  	[tilespmem:s3+$0x6020] =	vst v0;
	v0 =	vld [tilespmem:s3+$0x40]  }
0x1de: {  	v1 =	vld.idx.msk [tilespmem:v1+s28+$0x0], $0xffff;
	_ =	sdelay $0x4  }
0x1df: {  	[tilespmem:s3+$0x6030] =	vst v1;
	v1 =	vld [tilespmem:s3+$0x50];
	_ =	sdelay $0x1  }
0x1e0: {  	v0 =	vld.idx.msk [tilespmem:v0+s28+$0x0], $0xffff;
	_ =	sdelay $0x4  }
0x1e1: {  	v2 =	vld [tilespmem:s3+$0x60];
	[tilespmem:s3+$0x6040] =	vst v0  }
0x1e2: {  	v0 =	vld.idx.msk [tilespmem:v1+s28+$0x0], $0xffff;
	_ =	sdelay $0x4  }
0x1e3: {  	[tilespmem:s3+$0x6050] =	vst v0;
	v0 =	vld [tilespmem:s3+$0x70];
	_ =	sdelay $0x1  }
0x1e4: {  	v1 =	vld.idx.msk [tilespmem:v2+s28+$0x0], $0xffff;
	_ =	sdelay $0x3  }
0x1e5: {  	s4 =	simm.s32 $0x400;
	s5 =	simm.s32 $0x80  }
.LBB2_14:
0x1e6: {  	p1 =	sne.s32 s4, $0x7E00;
	v2 =	vld [tilespmem:s5+$0x0];
	[tilespmem:s3+$0x6060] =	vst v1  }
0x1e7: {  	v0 =	vld.idx.msk [tilespmem:v0+s28+$0x0], $0xffff;
	_ =	sdelay $0x5  }
0x1e8: {  	v1 =	vld [tilespmem:s5+$0x10];
	[tilespmem:s3+$0x6070] =	vst v0;
	s3 =	smov.u32 s5  }
0x1e9: {  	v0 =	vld.idx.msk [tilespmem:v2+s28+$0x0], $0xffff;
	_ =	sdelay $0x5  }
0x1ea: {  	[tilespmem:s3+$0x6000] =	vst v0;
	v0 =	vld [tilespmem:s3+$0x20]  }
0x1eb: {  	v1 =	vld.idx.msk [tilespmem:v1+s28+$0x0], $0xffff;
	_ =	sdelay $0x5  }
0x1ec: {  	[tilespmem:s3+$0x6010] =	vst v1;
	v1 =	vld [tilespmem:s3+$0x30]  }
0x1ed: {  	v0 =	vld.idx.msk [tilespmem:v0+s28+$0x0], $0xffff;
	_ =	sdelay $0x5  }
0x1ee: {  	[tilespmem:s3+$0x6020] =	vst v0;
	v0 =	vld [tilespmem:s3+$0x40]  }
0x1ef: {  	v1 =	vld.idx.msk [tilespmem:v1+s28+$0x0], $0xffff;
	_ =	sdelay $0x5  }
0x1f0: {  	[tilespmem:s3+$0x6030] =	vst v1;
	v1 =	vld [tilespmem:s3+$0x50]  }
0x1f1: {  	v0 =	vld.idx.msk [tilespmem:v0+s28+$0x0], $0xffff;
	_ =	sdelay $0x5  }
0x1f2: {  	[tilespmem:s3+$0x6040] =	vst v0;
	v2 =	vld [tilespmem:s3+$0x60]  }
0x1f3: {  	v0 =	vld.idx.msk [tilespmem:v1+s28+$0x0], $0xffff;
	_ =	sdelay $0x5  }
0x1f4: {  	[tilespmem:s3+$0x6050] =	vst v0;
	v0 =	vld [tilespmem:s3+$0x70]  }
0x1f5: {  	v1 =	vld.idx.msk [tilespmem:v2+s28+$0x0], $0xffff  }
.Ltmp8:
0x1f6: {  	(pc) =	sbr.rel @p1 .LBB2_14-.Ltmp8, $2  }
0x1f7: {  	_ =	sdelay $0x2  }
0x1f8: {  	s5 =	sshra.s32 s4, $0x2;
	s4 =	sadd.s32 $0x200, s4  }
0x1f9: {  	_ =	sdelay $0x1  }
0x1fa: {  	v2 =	vld [tilespmem:s5+$0x0]  }
0x1fb: {  	[tilespmem:s3+$0x6060] =	vst v1  }
0x1fc: {  	v0 =	vld.idx.msk [tilespmem:v0+s28+$0x0], $0xffff;
	_ =	sdelay $0x3  }
0x1fd: {  	v1 =	vld [tilespmem:s5+$0x10]  }
0x1fe: {  	[tilespmem:s3+$0x6070] =	vst v0  }
0x1ff: {  	v0 =	vld.idx.msk [tilespmem:v2+s28+$0x0], $0xffff;
	_ =	sdelay $0x4  }
0x200: {  	[tilespmem:s5+$0x6000] =	vst v0;
	v0 =	vld [tilespmem:s5+$0x20]  }
0x201: {  	v1 =	vld.idx.msk [tilespmem:v1+s28+$0x0], $0xffff;
	_ =	sdelay $0x4  }
0x202: {  	[tilespmem:s5+$0x6010] =	vst v1;
	v1 =	vld [tilespmem:s5+$0x30];
	_ =	sdelay $0x1  }
0x203: {  	v0 =	vld.idx.msk [tilespmem:v0+s28+$0x0], $0xffff;
	_ =	sdelay $0x4  }
0x204: {  	[tilespmem:s5+$0x6020] =	vst v0;
	v0 =	vld [tilespmem:s5+$0x40]  }
0x205: {  	v1 =	vld.idx.msk [tilespmem:v1+s28+$0x0], $0xffff;
	_ =	sdelay $0x4  }
0x206: {  	[tilespmem:s5+$0x6030] =	vst v1;
	v1 =	vld [tilespmem:s5+$0x50];
	_ =	sdelay $0x1  }
0x207: {  	v0 =	vld.idx.msk [tilespmem:v0+s28+$0x0], $0xffff;
	_ =	sdelay $0x4  }
0x208: {  	[tilespmem:s5+$0x6040] =	vst v0;
	v0 =	vld [tilespmem:s5+$0x60]  }
0x209: {  	v1 =	vld.idx.msk [tilespmem:v1+s28+$0x0], $0xffff;
	_ =	sdelay $0x4  }
0x20a: {  	[tilespmem:s5+$0x6050] =	vst v1;
	v1 =	vld [tilespmem:s5+$0x70];
	_ =	sdelay $0x1  }
0x20b: {  	v0 =	vld.idx.msk [tilespmem:v0+s28+$0x0], $0xffff;
	_ =	sdelay $0x4  }
0x20c: {  	[tilespmem:s5+$0x6060] =	vst v0  }
0x20d: {  	v0 =	vld.idx.msk [tilespmem:v1+s28+$0x0], $0xffff;
	_ =	sdelay $0x4  }
0x20e: {  	[tilespmem:s5+$0x6070] =	vst v0  }
0x20f: {  	_ =	swait.ge [sflag:s2], $0x2000  }
0x210: {  	[sflag:s2] =	ssyncset.done $0x0  }
0x211: {  	[sflag:s2] =	ssyncadd.s32 $0xFFFFE000  }
0x212: {  	[hbm4b:s18+s23] =	stream.strided.scatter [tilespmem:s31], [sflag:$0x3], $0x2000, s26, s23, $0x38;
	[tilespmem:$0xA000] =	vst v63  }
0x213: {  	s4 =	simm.s32 @!p0 $0x400;
	s3 =	simm.s32 @!p0 $0x80;
	s5 =	simm.s32 @!p0 $0x2000  }
0x214: {  	[tilespmem:s5], [sflag:$0x1] =	stream.strided.gather @!p0 [hbm4b:s19+s3], $0x2000, s4, s3, $0x38;
	[tilespmem:$0xA000] =	vst v63  }
0x215: {  	_ =	swait.ge [sflag:s0], $0x2000  }
0x216: {  	[sflag:s0] =	ssyncset.done $0x0  }
0x217: {  	s3 =	simm.s32 $0x0;
	[sflag:s0] =	ssyncadd.s32 $0xFFFFE000  }
0x218: {  	v0 =	vld [tilespmem:s3+$0x0];
	_ =	sdelay $0x5  }
0x219: {  	v1 =	vld [tilespmem:s3+$0x10];
	_ =	sdelay $0x1  }
0x21a: {  	v0 =	vld.idx.msk [tilespmem:v0+s29+$0x0], $0xffff;
	_ =	sdelay $0x4  }
0x21b: {  	[tilespmem:s3+$0x8000] =	vst v0;
	v0 =	vld [tilespmem:s3+$0x20]  }
0x21c: {  	v1 =	vld.idx.msk [tilespmem:v1+s29+$0x0], $0xffff;
	_ =	sdelay $0x4  }
0x21d: {  	[tilespmem:s3+$0x8010] =	vst v1;
	v1 =	vld [tilespmem:s3+$0x30];
	_ =	sdelay $0x1  }
0x21e: {  	v0 =	vld.idx.msk [tilespmem:v0+s29+$0x0], $0xffff;
	_ =	sdelay $0x4  }
0x21f: {  	[tilespmem:s3+$0x8020] =	vst v0;
	v0 =	vld [tilespmem:s3+$0x40]  }
0x220: {  	v1 =	vld.idx.msk [tilespmem:v1+s29+$0x0], $0xffff;
	_ =	sdelay $0x4  }
0x221: {  	[tilespmem:s3+$0x8030] =	vst v1;
	v1 =	vld [tilespmem:s3+$0x50];
	_ =	sdelay $0x1  }
0x222: {  	v0 =	vld.idx.msk [tilespmem:v0+s29+$0x0], $0xffff;
	_ =	sdelay $0x4  }
0x223: {  	v2 =	vld [tilespmem:s3+$0x60];
	[tilespmem:s3+$0x8040] =	vst v0  }
0x224: {  	v0 =	vld.idx.msk [tilespmem:v1+s29+$0x0], $0xffff;
	_ =	sdelay $0x4  }
0x225: {  	[tilespmem:s3+$0x8050] =	vst v0;
	v0 =	vld [tilespmem:s3+$0x70];
	_ =	sdelay $0x1  }
0x226: {  	v1 =	vld.idx.msk [tilespmem:v2+s29+$0x0], $0xffff;
	_ =	sdelay $0x3  }
0x227: {  	s5 =	simm.s32 $0x80;
	s4 =	simm.s32 $0x400  }
.LBB2_16:
0x228: {  	p1 =	sne.s32 s4, $0x7E00;
	v2 =	vld [tilespmem:s5+$0x0];
	[tilespmem:s3+$0x8060] =	vst v1  }
0x229: {  	v0 =	vld.idx.msk [tilespmem:v0+s29+$0x0], $0xffff;
	_ =	sdelay $0x5  }
0x22a: {  	v1 =	vld [tilespmem:s5+$0x10];
	[tilespmem:s3+$0x8070] =	vst v0;
	s3 =	smov.u32 s5  }
0x22b: {  	v0 =	vld.idx.msk [tilespmem:v2+s29+$0x0], $0xffff;
	_ =	sdelay $0x5  }
0x22c: {  	[tilespmem:s3+$0x8000] =	vst v0;
	v0 =	vld [tilespmem:s3+$0x20]  }
0x22d: {  	v1 =	vld.idx.msk [tilespmem:v1+s29+$0x0], $0xffff;
	_ =	sdelay $0x5  }
0x22e: {  	[tilespmem:s3+$0x8010] =	vst v1;
	v1 =	vld [tilespmem:s3+$0x30]  }
0x22f: {  	v0 =	vld.idx.msk [tilespmem:v0+s29+$0x0], $0xffff;
	_ =	sdelay $0x5  }
0x230: {  	[tilespmem:s3+$0x8020] =	vst v0;
	v0 =	vld [tilespmem:s3+$0x40]  }
0x231: {  	v1 =	vld.idx.msk [tilespmem:v1+s29+$0x0], $0xffff;
	_ =	sdelay $0x5  }
0x232: {  	[tilespmem:s3+$0x8030] =	vst v1;
	v1 =	vld [tilespmem:s3+$0x50]  }
0x233: {  	v0 =	vld.idx.msk [tilespmem:v0+s29+$0x0], $0xffff;
	_ =	sdelay $0x5  }
0x234: {  	[tilespmem:s3+$0x8040] =	vst v0;
	v2 =	vld [tilespmem:s3+$0x60]  }
0x235: {  	v0 =	vld.idx.msk [tilespmem:v1+s29+$0x0], $0xffff;
	_ =	sdelay $0x5  }
0x236: {  	[tilespmem:s3+$0x8050] =	vst v0;
	v0 =	vld [tilespmem:s3+$0x70]  }
0x237: {  	v1 =	vld.idx.msk [tilespmem:v2+s29+$0x0], $0xffff  }
.Ltmp9:
0x238: {  	(pc) =	sbr.rel @p1 .LBB2_16-.Ltmp9, $2  }
0x239: {  	_ =	sdelay $0x2  }
0x23a: {  	s5 =	sshra.s32 s4, $0x2;
	s4 =	sadd.s32 $0x200, s4  }
0x23b: {  	_ =	sdelay $0x1  }
0x23c: {  	v2 =	vld [tilespmem:s5+$0x0]  }
0x23d: {  	[tilespmem:s3+$0x8060] =	vst v1  }
0x23e: {  	v0 =	vld.idx.msk [tilespmem:v0+s29+$0x0], $0xffff;
	_ =	sdelay $0x3  }
0x23f: {  	v1 =	vld [tilespmem:s5+$0x10]  }
0x240: {  	[tilespmem:s3+$0x8070] =	vst v0  }
0x241: {  	v0 =	vld.idx.msk [tilespmem:v2+s29+$0x0], $0xffff;
	_ =	sdelay $0x3  }
0x242: {  	v58 =	vld [tilespmem:s5+$0x20]  }
0x243: {  	[tilespmem:s5+$0x8000] =	vst v0  }
0x244: {  	v1 =	vld.idx.msk [tilespmem:v1+s29+$0x0], $0xffff;
	_ =	sdelay $0x3  }
0x245: {  	v59 =	vld [tilespmem:s5+$0x30]  }
0x246: {  	[tilespmem:s5+$0x8010] =	vst v1  }
0x247: {  	v0 =	vld.idx.msk [tilespmem:v58+s29+$0x0], $0xffff;
	_ =	sdelay $0x3  }
0x248: {  	v60 =	vld [tilespmem:s5+$0x40]  }
0x249: {  	[tilespmem:s5+$0x8020] =	vst v0  }
0x24a: {  	v1 =	vld.idx.msk [tilespmem:v59+s29+$0x0], $0xffff;
	_ =	sdelay $0x3  }
0x24b: {  	v61 =	vld [tilespmem:s5+$0x50]  }
0x24c: {  	[tilespmem:s5+$0x8030] =	vst v1  }
0x24d: {  	v0 =	vld.idx.msk [tilespmem:v60+s29+$0x0], $0xffff;
	_ =	sdelay $0x3  }
0x24e: {  	v62 =	vld [tilespmem:s5+$0x60]  }
0x24f: {  	[tilespmem:s5+$0x8040] =	vst v0  }
0x250: {  	v1 =	vld.idx.msk [tilespmem:v61+s29+$0x0], $0xffff;
	_ =	sdelay $0x3  }
0x251: {  	v63 =	vld [tilespmem:s5+$0x70]  }
0x252: {  	[tilespmem:s5+$0x8050] =	vst v1  }
0x253: {  	v0 =	vld.idx.msk [tilespmem:v62+s29+$0x0], $0xffff;
	_ =	sdelay $0x4  }
0x254: {  	[tilespmem:s5+$0x8060] =	vst v0  }
0x255: {  	v0 =	vld.idx.msk [tilespmem:v63+s29+$0x0], $0xffff;
	_ =	sdelay $0x4  }
.Ltmp10:
0x256: {  	s3 =	simm.s32 $0x4;
	[tilespmem:s5+$0x8070] =	vst v0;
	(pc) =	sbr.rel @p0 .LBB2_21-.Ltmp10, $4  }
0x257: {  	_ =	swait.ge [sflag:s3], $0x2000  }
0x258: {  	[sflag:s3] =	ssyncset.done $0x0  }
0x259: {  	[sflag:s3] =	ssyncadd.s32 $0xFFFFE000  }
0x25a: {  	[hbm4b:s20+s23] =	stream.strided.scatter [tilespmem:s1], [sflag:$0x4], $0x2000, s26, s23, $0x38;
	[tilespmem:$0xA000] =	vst v63  }
0x25b: {  	_ =	swait.ge [sflag:s30], $0x2000  }
0x25c: {  	[sflag:s30] =	ssyncset.done $0x0  }
0x25d: {  	s3 =	simm.s32 $0x0;
	[sflag:s30] =	ssyncadd.s32 $0xFFFFE000  }
0x25e: {  	v0 =	vld [tilespmem:s3+$0x0];
	_ =	sdelay $0x5  }
0x25f: {  	v1 =	vld [tilespmem:s3+$0x10];
	_ =	sdelay $0x1  }
0x260: {  	v0 =	vld.idx.msk [tilespmem:v0+s28+$0x0], $0xffff;
	_ =	sdelay $0x4  }
0x261: {  	[tilespmem:s3+$0x6000] =	vst v0;
	v0 =	vld [tilespmem:s3+$0x20]  }
0x262: {  	v1 =	vld.idx.msk [tilespmem:v1+s28+$0x0], $0xffff;
	_ =	sdelay $0x4  }
0x263: {  	[tilespmem:s3+$0x6010] =	vst v1;
	v1 =	vld [tilespmem:s3+$0x30];
	_ =	sdelay $0x1  }
0x264: {  	v0 =	vld.idx.msk [tilespmem:v0+s28+$0x0], $0xffff;
	_ =	sdelay $0x4  }
0x265: {  	[tilespmem:s3+$0x6020] =	vst v0;
	v0 =	vld [tilespmem:s3+$0x40]  }
0x266: {  	v1 =	vld.idx.msk [tilespmem:v1+s28+$0x0], $0xffff;
	_ =	sdelay $0x4  }
0x267: {  	[tilespmem:s3+$0x6030] =	vst v1;
	v1 =	vld [tilespmem:s3+$0x50];
	_ =	sdelay $0x1  }
0x268: {  	v0 =	vld.idx.msk [tilespmem:v0+s28+$0x0], $0xffff;
	_ =	sdelay $0x4  }
0x269: {  	v2 =	vld [tilespmem:s3+$0x60];
	[tilespmem:s3+$0x6040] =	vst v0  }
0x26a: {  	v0 =	vld.idx.msk [tilespmem:v1+s28+$0x0], $0xffff;
	_ =	sdelay $0x4  }
0x26b: {  	[tilespmem:s3+$0x6050] =	vst v0;
	v0 =	vld [tilespmem:s3+$0x70];
	_ =	sdelay $0x1  }
0x26c: {  	v1 =	vld.idx.msk [tilespmem:v2+s28+$0x0], $0xffff;
	_ =	sdelay $0x3  }
0x26d: {  	s5 =	simm.s32 $0x80;
	s4 =	simm.s32 $0x400  }
.LBB2_19:
0x26e: {  	p1 =	sne.s32 s4, $0x7E00;
	v2 =	vld [tilespmem:s5+$0x0];
	[tilespmem:s3+$0x6060] =	vst v1  }
0x26f: {  	v0 =	vld.idx.msk [tilespmem:v0+s28+$0x0], $0xffff;
	_ =	sdelay $0x5  }
0x270: {  	v1 =	vld [tilespmem:s5+$0x10];
	[tilespmem:s3+$0x6070] =	vst v0;
	s3 =	smov.u32 s5  }
0x271: {  	v0 =	vld.idx.msk [tilespmem:v2+s28+$0x0], $0xffff;
	_ =	sdelay $0x5  }
0x272: {  	[tilespmem:s3+$0x6000] =	vst v0;
	v0 =	vld [tilespmem:s3+$0x20]  }
0x273: {  	v1 =	vld.idx.msk [tilespmem:v1+s28+$0x0], $0xffff;
	_ =	sdelay $0x5  }
0x274: {  	[tilespmem:s3+$0x6010] =	vst v1;
	v1 =	vld [tilespmem:s3+$0x30]  }
0x275: {  	v0 =	vld.idx.msk [tilespmem:v0+s28+$0x0], $0xffff;
	_ =	sdelay $0x5  }
0x276: {  	[tilespmem:s3+$0x6020] =	vst v0;
	v0 =	vld [tilespmem:s3+$0x40]  }
0x277: {  	v1 =	vld.idx.msk [tilespmem:v1+s28+$0x0], $0xffff;
	_ =	sdelay $0x5  }
0x278: {  	[tilespmem:s3+$0x6030] =	vst v1;
	v1 =	vld [tilespmem:s3+$0x50]  }
0x279: {  	v0 =	vld.idx.msk [tilespmem:v0+s28+$0x0], $0xffff;
	_ =	sdelay $0x5  }
0x27a: {  	[tilespmem:s3+$0x6040] =	vst v0;
	v2 =	vld [tilespmem:s3+$0x60]  }
0x27b: {  	v0 =	vld.idx.msk [tilespmem:v1+s28+$0x0], $0xffff;
	_ =	sdelay $0x5  }
0x27c: {  	[tilespmem:s3+$0x6050] =	vst v0;
	v0 =	vld [tilespmem:s3+$0x70]  }
0x27d: {  	v1 =	vld.idx.msk [tilespmem:v2+s28+$0x0], $0xffff  }
.Ltmp11:
0x27e: {  	(pc) =	sbr.rel @p1 .LBB2_19-.Ltmp11, $2  }
0x27f: {  	_ =	sdelay $0x2  }
0x280: {  	s5 =	sshra.s32 s4, $0x2;
	s4 =	sadd.s32 $0x200, s4  }
.Ltmp12:
0x281: {  	_ = 	snop;
	(pc) =	sbr.rel .LBB2_20-.Ltmp12, $1  }
0x282: {  	_ =	sdelay $0x3  }
.LBB2_22:
0x283: {  	_ =	sfence.sel $0x180000  }
0x284: {  	[bflag:$0x0] =	sbarrier.arrive $0xFFFF  }
0x285: {  	_ =	strace $0x90000047  }
0x286: {  	s0 =	stileid.u32;
	[bflag:$0x2] =	sbarrier.arrive $0xFFFF  }
0x287: {  	p0 =	sne.s32 s0, $0x0;
	s0 =	rddreg [dreg:$0x2]  }
0x288: {  	s0 =	sadd.s32 @!p0 $0x100000, s0  }
0x289: {  	[sflag:s0] =	ssyncadd.tile.s32 @!p0 $0x1;
	_ =	shalt  }
.Lfunc_end2:
_tile_overlayer_lowered:
.L_overlay_start_2:
0x28a: {  	(tag) =	ssettag $0x2  }
0x28b: {  	s0 =	rddreg [dreg:$0x0];
	s2 =	stileid.u32  }
0x28c: {  	s1 =	rddreg [dreg:$0x1];
	p0 =	sne.s32 s2, $0x0  }
0x28d: {  	s3 =	rddreg [dreg:$0x2];
	[bflag:$0x3] =	sbarrier.arrive $0xFFFF;
	s2 =	simm.s32 @!p0 $0x1C05  }
0x28e: {  	[timem:s3], [sflag:s2] =	dma.local @!p0 [hbm:s0], s1  }
0x28f: {  	s0 =	simm.s32 @!p0 $0x5  }
0x290: {  	_ =	swait.ge @!p0 [sflag:s0], s1  }
0x291: {  	s1 =	ssub.s32 @!p0 $0x0, s1;
	[sflag:s0] =	ssyncset.done @!p0 $0x0  }
0x292: {  	[sflag:s0] =	ssyncadd.s32 @!p0 s1  }
0x293: {  	[bflag:$0x3] =	sbarrier.arrive $0xFFFF  }
0x294: {  	_ =	shalt  }

</sc_bundles>
